<compile_context>
chip_gen: v7x
topology: tpu7x:2x2x1
jax: 0.10.2.dev20260603
libtpu: 0.0.44.dev20260713+nightly
codegen_flags: <defaults>
</compile_context>

<pallas_src>
import functools

import jax
import jax.numpy as jnp
from jax import lax
from jax.experimental import pallas as pl
from jax.experimental.pallas import tpu as pltpu
from jax.experimental.pallas import tpu_sc as plsc

BATCH = 16384
D = 32
NC = 2
NS = 16
NW = NC * NS
BPW = BATCH // NW
CH = 128
NCH = BPW // CH



def _gather_tiled_body(ids, tab, out, idx_v, rows_a, rows_b, sem_a, sem_b):
    wid = lax.axis_index("s") * NC + lax.axis_index("c")
    base = wid * BPW
    pltpu.sync_copy(ids.at[pl.ds(base, BPW)], idx_v)

    bufs = (rows_a, rows_b)
    sems = (sem_a, sem_b)

    def issue_chunk(ch, slot):
        buf = bufs[slot]
        sem = sems[slot]

        def body(g, _):
            vec = idx_v[pl.ds(ch * CH + g * 16, 16)]
            off = g * 16
            for l in range(16):
                idx = vec[l]
                pltpu.make_async_copy(tab.at[pl.ds(idx, 1)],
                                      buf.at[pl.ds(off + l, 1)], sem).start()
            return _

        lax.fori_loop(0, CH // 16, body, None)

    def drain_chunk(ch, slot):
        pltpu.make_async_copy(tab.at[pl.ds(0, CH)], bufs[slot],
                              sems[slot]).wait()
        pltpu.sync_copy(bufs[slot], out.at[pl.ds(base + ch * CH, CH)])

    for step in range(NCH + 2):
        slot = step % 2
        if step >= 2:
            drain_chunk(step - 2, slot)
        if step < NCH:
            issue_chunk(step, slot)


_sc_gather_tiled = pl.kernel(
    _gather_tiled_body,
    out_type=jax.ShapeDtypeStruct((BATCH, D), jnp.float32),
    mesh=plsc.VectorSubcoreMesh(core_axis_name="c", subcore_axis_name="s"),
    scratch_types=[
        pltpu.VMEM((BPW,), jnp.int32),
        pltpu.VMEM((CH, D), jnp.float32),
        pltpu.VMEM((CH, D), jnp.float32),
        pltpu.SemaphoreType.DMA,
        pltpu.SemaphoreType.DMA,
    ],
    compiler_params=pltpu.CompilerParams(use_tc_tiling_on_sc=True),
)



def _gather_dense_body(ids, tab, out, idx_v, rows_v, sem):
    wid = lax.axis_index("s") * NC + lax.axis_index("c")
    base = wid * BPW
    pltpu.sync_copy(ids.at[pl.ds(base, BPW)], idx_v)
    pltpu.async_copy(tab.at[idx_v], rows_v, sem).wait()
    pltpu.sync_copy(rows_v, out.at[pl.ds(base, BPW)])


_sc_gather_dense = pl.kernel(
    _gather_dense_body,
    out_type=jax.ShapeDtypeStruct((BATCH, D), jnp.float32),
    mesh=plsc.VectorSubcoreMesh(core_axis_name="c", subcore_axis_name="s"),
    scratch_types=[
        pltpu.VMEM((BPW,), jnp.int32),
        pltpu.VMEM((BPW, D), jnp.float32),
        pltpu.SemaphoreType.DMA,
    ],
    compiler_params=pltpu.CompilerParams(use_tc_tiling_on_sc=False),
)



def _mlp_body(u_ref, i_ref, w1u_ref, w1i_ref, b1_ref, w2_ref, b2_ref,
              w3_ref, b3_ref, out_ref):
    u = u_ref[...]
    i = i_ref[...]
    h = jnp.dot(u, w1u_ref[...], preferred_element_type=jnp.float32)
    h = h + jnp.dot(i, w1i_ref[...], preferred_element_type=jnp.float32)
    h = jnp.maximum(h + b1_ref[...], 0.0)
    h2 = jnp.dot(h, w2_ref[...], preferred_element_type=jnp.float32)
    h2 = jnp.maximum(h2 + b2_ref[...], 0.0)
    out_ref[...] = jnp.sum(h2 * w3_ref[...], axis=1, keepdims=True) + b3_ref[...]


_mlp = pl.pallas_call(
    _mlp_body,
    out_shape=jax.ShapeDtypeStruct((BATCH, 1), jnp.float32),
)


def kernel(U_ids, I_ids, user_table, item_table, W1, b1, W2, b2, W3, b3):
    u_ids = U_ids.astype(jnp.int32)
    i_ids = I_ids.astype(jnp.int32)
    i_emb = _sc_gather_dense(i_ids, item_table)
    u_emb = _sc_gather_tiled(u_ids, user_table)
    return _mlp(u_emb, i_emb, W1[:D], W1[D:], b1.reshape(1, D),
                W2, b2.reshape(1, 8), W3.reshape(1, 8), b3.reshape(1, 1))

# --- scband reference (transcript-rebuilt; emitter-appended) ---
"""Pipeline reference for scband-mlprecommender-60859686584773 (READ-ONLY COPY).

The authoritative reference and input builder live on the scoring server;
editing this copy changes nothing except your own understanding.
"""

import jax, jax.numpy as jnp
import numpy as np

N_USERS = 1000000
N_ITEMS = 1000000
EMBED_DIM = 32
BATCH = 16384


def setup_inputs(seed: int = 0) -> dict:
    key = jax.random.key(seed)
    ks = jax.random.split(key, 10)
    U_ids = jax.random.randint(ks[0], (BATCH,), 0, N_USERS + 1)
    I_ids = jax.random.randint(ks[1], (BATCH,), 0, N_ITEMS + 1)
    user_table = jax.random.normal(ks[2], (N_USERS + 1, EMBED_DIM), dtype=jnp.float32) * 0.05
    user_table = user_table.at[0].set(0.0)  # padding_idx=0
    item_table = jax.random.normal(ks[3], (N_ITEMS + 1, EMBED_DIM), dtype=jnp.float32) * 0.05
    item_table = item_table.at[0].set(0.0)  # padding_idx=0
    # MLP: Linear(64,32)+ReLU, Linear(32,8)+ReLU, Linear(8,1)
    W1 = jax.random.normal(ks[4], (2 * EMBED_DIM, 32), dtype=jnp.float32) * 0.05
    b1 = jnp.zeros((32,), dtype=jnp.float32)
    W2 = jax.random.normal(ks[5], (32, 8), dtype=jnp.float32) * 0.05
    b2 = jnp.zeros((8,), dtype=jnp.float32)
    W3 = jax.random.normal(ks[6], (8, 1), dtype=jnp.float32) * 0.05
    b3 = jnp.zeros((1,), dtype=jnp.float32)
    return {"U_ids": U_ids, "I_ids": I_ids, "user_table": user_table, "item_table": item_table,
            "W1": W1, "b1": b1, "W2": W2, "b2": b2, "W3": W3, "b3": b3}


def reference(U_ids, I_ids, user_table, item_table, W1, b1, W2, b2, W3, b3):
    user_embeddings = jnp.take(user_table, U_ids, axis=0)
    item_embeddings = jnp.take(item_table, I_ids, axis=0)
    embeddings = jnp.concatenate([user_embeddings, item_embeddings], axis=1)
    h = jax.nn.relu(embeddings @ W1 + b1)
    h = jax.nn.relu(h @ W2 + b2)
    out = h @ W3 + b3
    return out

if __name__ == "__main__":
    import jax
    _d = setup_inputs()
    print(jax.jit(kernel)(*tuple(_d.values())))

</pallas_src>

<mosaic_0001>
#map = affine_map<(d0, d1) -> (0)>
#map1 = affine_map<(d0, d1) -> (0, 0)>
module attributes {stable_mosaic.version = 14 : i64} {
  func.func @_gather_tiled_body(%arg0: i32, %arg1: i32, %arg2: memref<16384xi32, #tpu.memory_space<hbm>>, %arg3: memref<1000001x32xf32, #tpu.memory_space<hbm>>, %arg4: memref<16384x32xf32, #tpu.memory_space<hbm>>, %arg5: memref<512xi32, #tpu.memory_space<vmem>>, %arg6: memref<128x32xf32, #tpu.memory_space<vmem>>, %arg7: memref<128x32xf32, #tpu.memory_space<vmem>>, %arg8: memref<!tpu.dma_semaphore, #tpu.memory_space<semaphore_mem>>, %arg9: memref<!tpu.dma_semaphore, #tpu.memory_space<semaphore_mem>>) attributes {dimension_semantics = [#tpu.dimension_semantics<core_parallel>, #tpu.dimension_semantics<subcore_parallel>], iteration_bounds = array<i64: 2, 16>, scalar_prefetch = 0 : i64, scratch_operands = 5 : i64, tpu.core_type = #tpu.core_type<sc_vector_subcore>, window_params = [{transform_indices = #map}, {transform_indices = #map1}, {transform_indices = #map1}]} {
    %mul3A = arith.constant 2 : i32
    %mul3A_0 = arith.muli %arg1, %mul3A : i32
    %add3A = arith.addi %mul3A_0, %arg0 : i32
    %mul3A_1 = arith.constant 512 : i32
    %mul3A_2 = arith.muli %add3A, %mul3A_1 : i32
    "tpu.region"() ({
      %run_scoped3A = tpu.sem_alloc : memref<!tpu.dma_semaphore, #tpu.memory_space<semaphore_mem>>
      %dma_start3A = tpu.memref_slice %arg2[%mul3A_2] : memref<16384xi32, #tpu.memory_space<hbm>> -> memref<512xi32, #tpu.memory_space<hbm>>
      %dma_start3A_53 = tpu.memref_slice %arg2[%mul3A_2] : memref<16384xi32, #tpu.memory_space<hbm>> -> memref<512xi32, #tpu.memory_space<hbm>>
      tpu.enqueue_dma source(%dma_start3A_53 : memref<512xi32, #tpu.memory_space<hbm>>) target(%arg5 : memref<512xi32, #tpu.memory_space<vmem>>) target_semaphore(%run_scoped3A : memref<!tpu.dma_semaphore, #tpu.memory_space<semaphore_mem>>)
      %dma_wait3A_54 = tpu.memref_slice %arg2[%mul3A_2] : memref<16384xi32, #tpu.memory_space<hbm>> -> memref<512xi32, #tpu.memory_space<hbm>>
      %dma_wait3A_55 = tpu.memref_slice %arg2[%mul3A_2] : memref<16384xi32, #tpu.memory_space<hbm>> -> memref<512xi32, #tpu.memory_space<hbm>>
      tpu.wait_dma2 semaphore(%run_scoped3A : memref<!tpu.dma_semaphore, #tpu.memory_space<semaphore_mem>>) src(%dma_wait3A_55 : memref<512xi32, #tpu.memory_space<hbm>>) dst(%arg5 : memref<512xi32, #tpu.memory_space<vmem>>)
      tpu.yield
    }) : () -> ()
    %scan3A = arith.constant 0 : i32
    %scan3A_3 = arith.constant 8 : i32
    %scan3A_4 = arith.addi %scan3A, %scan3A_3 : i32
    %scan3A_5 = arith.constant 1 : i32
    scf.for %scan3A_53 = %scan3A to %scan3A_4 step %scan3A_5  : i32 {
      %mul3A_54 = arith.constant 16 : i32
      %mul3A_55 = arith.muli %scan3A_53, %mul3A_54 : i32
      %add3A_56 = arith.constant 0 : i32
      %add3A_57 = arith.addi %add3A_56, %mul3A_55 : i32
      %get3A = arith.index_cast %add3A_57 : i32 to index
      %get3A_58 = tpu.vector_load %arg5[%get3A] {strides = array<i32>} : memref<512xi32, #tpu.memory_space<vmem>>, vector<16xi32>,
      %get3A_59 = vector.shape_cast %get3A_58 : vector<16xi32> to vector<16xi32>
      %mul3A_60 = arith.constant 16 : i32
      %mul3A_61 = arith.muli %scan3A_53, %mul3A_60 : i32
      %slice3A = vector.extract_strided_slice %get3A_59 {offsets = [0], sizes = [1], strides = [1]} : vector<16xi32> to vector<1xi32>
      %squeeze3A = vector.extract %slice3A[0] : i32 from vector<1xi32>
      %add3A_62 = arith.constant 0 : i32
      %add3A_63 = arith.addi %mul3A_61, %add3A_62 : i32
      %dma_start3A = arith.constant 0 : i32
      %dma_start3A_64 = tpu.memref_slice %arg6[%add3A_63, %dma_start3A] : memref<128x32xf32, #tpu.memory_space<vmem>> -> memref<1x32xf32, #tpu.memory_space<vmem>>
      %dma_start3A_65 = arith.constant 0 : i32
      %dma_start3A_66 = tpu.memref_slice %arg3[%squeeze3A, %dma_start3A_65] : memref<1000001x32xf32, #tpu.memory_space<hbm>> -> memref<1x32xf32, #tpu.memory_space<hbm>>
      %dma_start3A_67 = arith.constant 0 : i32
      %dma_start3A_68 = tpu.memref_slice %arg6[%add3A_63, %dma_start3A_67] : memref<128x32xf32, #tpu.memory_space<vmem>> -> memref<1x32xf32, #tpu.memory_space<vmem>>
      %dma_start3A_69 = arith.constant 0 : i32
      %dma_start3A_70 = tpu.memref_slice %arg3[%squeeze3A, %dma_start3A_69] : memref<1000001x32xf32, #tpu.memory_space<hbm>> -> memref<1x32xf32, #tpu.memory_space<hbm>>
      tpu.enqueue_dma source(%dma_start3A_70 : memref<1x32xf32, #tpu.memory_space<hbm>>) target(%dma_start3A_68 : memref<1x32xf32, #tpu.memory_space<vmem>>) target_semaphore(%arg8 : memref<!tpu.dma_semaphore, #tpu.memory_space<semaphore_mem>>)
      %slice3A_71 = vector.extract_strided_slice %get3A_59 {offsets = [1], sizes = [1], strides = [1]} : vector<16xi32> to vector<1xi32>
      %squeeze3A_72 = vector.extract %slice3A_71[0] : i32 from vector<1xi32>
      %add3A_73 = arith.constant 1 : i32
      %add3A_74 = arith.addi %mul3A_61, %add3A_73 : i32
      %dma_start3A_75 = arith.constant 0 : i32
      %dma_start3A_76 = tpu.memref_slice %arg6[%add3A_74, %dma_start3A_75] : memref<128x32xf32, #tpu.memory_space<vmem>> -> memref<1x32xf32, #tpu.memory_space<vmem>>
      %dma_start3A_77 = arith.constant 0 : i32
      %dma_start3A_78 = tpu.memref_slice %arg3[%squeeze3A_72, %dma_start3A_77] : memref<1000001x32xf32, #tpu.memory_space<hbm>> -> memref<1x32xf32, #tpu.memory_space<hbm>>
      %dma_start3A_79 = arith.constant 0 : i32
      %dma_start3A_80 = tpu.memref_slice %arg6[%add3A_74, %dma_start3A_79] : memref<128x32xf32, #tpu.memory_space<vmem>> -> memref<1x32xf32, #tpu.memory_space<vmem>>
      %dma_start3A_81 = arith.constant 0 : i32
      %dma_start3A_82 = tpu.memref_slice %arg3[%squeeze3A_72, %dma_start3A_81] : memref<1000001x32xf32, #tpu.memory_space<hbm>> -> memref<1x32xf32, #tpu.memory_space<hbm>>
      tpu.enqueue_dma source(%dma_start3A_82 : memref<1x32xf32, #tpu.memory_space<hbm>>) target(%dma_start3A_80 : memref<1x32xf32, #tpu.memory_space<vmem>>) target_semaphore(%arg8 : memref<!tpu.dma_semaphore, #tpu.memory_space<semaphore_mem>>)
      %slice3A_83 = vector.extract_strided_slice %get3A_59 {offsets = [2], sizes = [1], strides = [1]} : vector<16xi32> to vector<1xi32>
      %squeeze3A_84 = vector.extract %slice3A_83[0] : i32 from vector<1xi32>
      %add3A_85 = arith.constant 2 : i32
      %add3A_86 = arith.addi %mul3A_61, %add3A_85 : i32
      %dma_start3A_87 = arith.constant 0 : i32
      %dma_start3A_88 = tpu.memref_slice %arg6[%add3A_86, %dma_start3A_87] : memref<128x32xf32, #tpu.memory_space<vmem>> -> memref<1x32xf32, #tpu.memory_space<vmem>>
      %dma_start3A_89 = arith.constant 0 : i32
      %dma_start3A_90 = tpu.memref_slice %arg3[%squeeze3A_84, %dma_start3A_89] : memref<1000001x32xf32, #tpu.memory_space<hbm>> -> memref<1x32xf32, #tpu.memory_space<hbm>>
      %dma_start3A_91 = arith.constant 0 : i32
      %dma_start3A_92 = tpu.memref_slice %arg6[%add3A_86, %dma_start3A_91] : memref<128x32xf32, #tpu.memory_space<vmem>> -> memref<1x32xf32, #tpu.memory_space<vmem>>
      %dma_start3A_93 = arith.constant 0 : i32
      %dma_start3A_94 = tpu.memref_slice %arg3[%squeeze3A_84, %dma_start3A_93] : memref<1000001x32xf32, #tpu.memory_space<hbm>> -> memref<1x32xf32, #tpu.memory_space<hbm>>
      tpu.enqueue_dma source(%dma_start3A_94 : memref<1x32xf32, #tpu.memory_space<hbm>>) target(%dma_start3A_92 : memref<1x32xf32, #tpu.memory_space<vmem>>) target_semaphore(%arg8 : memref<!tpu.dma_semaphore, #tpu.memory_space<semaphore_mem>>)
      %slice3A_95 = vector.extract_strided_slice %get3A_59 {offsets = [3], sizes = [1], strides = [1]} : vector<16xi32> to vector<1xi32>
      %squeeze3A_96 = vector.extract %slice3A_95[0] : i32 from vector<1xi32>
      %add3A_97 = arith.constant 3 : i32
      %add3A_98 = arith.addi %mul3A_61, %add3A_97 : i32
      %dma_start3A_99 = arith.constant 0 : i32
      %dma_start3A_100 = tpu.memref_slice %arg6[%add3A_98, %dma_start3A_99] : memref<128x32xf32, #tpu.memory_space<vmem>> -> memref<1x32xf32, #tpu.memory_space<vmem>>
      %dma_start3A_101 = arith.constant 0 : i32
      %dma_start3A_102 = tpu.memref_slice %arg3[%squeeze3A_96, %dma_start3A_101] : memref<1000001x32xf32, #tpu.memory_space<hbm>> -> memref<1x32xf32, #tpu.memory_space<hbm>>
      %dma_start3A_103 = arith.constant 0 : i32
      %dma_start3A_104 = tpu.memref_slice %arg6[%add3A_98, %dma_start3A_103] : memref<128x32xf32, #tpu.memory_space<vmem>> -> memref<1x32xf32, #tpu.memory_space<vmem>>
      %dma_start3A_105 = arith.constant 0 : i32
      %dma_start3A_106 = tpu.memref_slice %arg3[%squeeze3A_96, %dma_start3A_105] : memref<1000001x32xf32, #tpu.memory_space<hbm>> -> memref<1x32xf32, #tpu.memory_space<hbm>>
      tpu.enqueue_dma source(%dma_start3A_106 : memref<1x32xf32, #tpu.memory_space<hbm>>) target(%dma_start3A_104 : memref<1x32xf32, #tpu.memory_space<vmem>>) target_semaphore(%arg8 : memref<!tpu.dma_semaphore, #tpu.memory_space<semaphore_mem>>)
      %slice3A_107 = vector.extract_strided_slice %get3A_59 {offsets = [4], sizes = [1], strides = [1]} : vector<16xi32> to vector<1xi32>
      %squeeze3A_108 = vector.extract %slice3A_107[0] : i32 from vector<1xi32>
      %add3A_109 = arith.constant 4 : i32
      %add3A_110 = arith.addi %mul3A_61, %add3A_109 : i32
      %dma_start3A_111 = arith.constant 0 : i32
      %dma_start3A_112 = tpu.memref_slice %arg6[%add3A_110, %dma_start3A_111] : memref<128x32xf32, #tpu.memory_space<vmem>> -> memref<1x32xf32, #tpu.memory_space<vmem>>
      %dma_start3A_113 = arith.constant 0 : i32
      %dma_start3A_114 = tpu.memref_slice %arg3[%squeeze3A_108, %dma_start3A_113] : memref<1000001x32xf32, #tpu.memory_space<hbm>> -> memref<1x32xf32, #tpu.memory_space<hbm>>
      %dma_start3A_115 = arith.constant 0 : i32
      %dma_start3A_116 = tpu.memref_slice %arg6[%add3A_110, %dma_start3A_115] : memref<128x32xf32, #tpu.memory_space<vmem>> -> memref<1x32xf32, #tpu.memory_space<vmem>>
      %dma_start3A_117 = arith.constant 0 : i32
      %dma_start3A_118 = tpu.memref_slice %arg3[%squeeze3A_108, %dma_start3A_117] : memref<1000001x32xf32, #tpu.memory_space<hbm>> -> memref<1x32xf32, #tpu.memory_space<hbm>>
      tpu.enqueue_dma source(%dma_start3A_118 : memref<1x32xf32, #tpu.memory_space<hbm>>) target(%dma_start3A_116 : memref<1x32xf32, #tpu.memory_space<vmem>>) target_semaphore(%arg8 : memref<!tpu.dma_semaphore, #tpu.memory_space<semaphore_mem>>)
      %slice3A_119 = vector.extract_strided_slice %get3A_59 {offsets = [5], sizes = [1], strides = [1]} : vector<16xi32> to vector<1xi32>
      %squeeze3A_120 = vector.extract %slice3A_119[0] : i32 from vector<1xi32>
      %add3A_121 = arith.constant 5 : i32
      %add3A_122 = arith.addi %mul3A_61, %add3A_121 : i32
      %dma_start3A_123 = arith.constant 0 : i32
      %dma_start3A_124 = tpu.memref_slice %arg6[%add3A_122, %dma_start3A_123] : memref<128x32xf32, #tpu.memory_space<vmem>> -> memref<1x32xf32, #tpu.memory_space<vmem>>
      %dma_start3A_125 = arith.constant 0 : i32
      %dma_start3A_126 = tpu.memref_slice %arg3[%squeeze3A_120, %dma_start3A_125] : memref<1000001x32xf32, #tpu.memory_space<hbm>> -> memref<1x32xf32, #tpu.memory_space<hbm>>
      %dma_start3A_127 = arith.constant 0 : i32
      %dma_start3A_128 = tpu.memref_slice %arg6[%add3A_122, %dma_start3A_127] : memref<128x32xf32, #tpu.memory_space<vmem>> -> memref<1x32xf32, #tpu.memory_space<vmem>>
      %dma_start3A_129 = arith.constant 0 : i32
      %dma_start3A_130 = tpu.memref_slice %arg3[%squeeze3A_120, %dma_start3A_129] : memref<1000001x32xf32, #tpu.memory_space<hbm>> -> memref<1x32xf32, #tpu.memory_space<hbm>>
      tpu.enqueue_dma source(%dma_start3A_130 : memref<1x32xf32, #tpu.memory_space<hbm>>) target(%dma_start3A_128 : memref<1x32xf32, #tpu.memory_space<vmem>>) target_semaphore(%arg8 : memref<!tpu.dma_semaphore, #tpu.memory_space<semaphore_mem>>)
      %slice3A_131 = vector.extract_strided_slice %get3A_59 {offsets = [6], sizes = [1], strides = [1]} : vector<16xi32> to vector<1xi32>
      %squeeze3A_132 = vector.extract %slice3A_131[0] : i32 from vector<1xi32>
      %add3A_133 = arith.constant 6 : i32
      %add3A_134 = arith.addi %mul3A_61, %add3A_133 : i32
      %dma_start3A_135 = arith.constant 0 : i32
      %dma_start3A_136 = tpu.memref_slice %arg6[%add3A_134, %dma_start3A_135] : memref<128x32xf32, #tpu.memory_space<vmem>> -> memref<1x32xf32, #tpu.memory_space<vmem>>
      %dma_start3A_137 = arith.constant 0 : i32
      %dma_start3A_138 = tpu.memref_slice %arg3[%squeeze3A_132, %dma_start3A_137] : memref<1000001x32xf32, #tpu.memory_space<hbm>> -> memref<1x32xf32, #tpu.memory_space<hbm>>
      %dma_start3A_139 = arith.constant 0 : i32
      %dma_start3A_140 = tpu.memref_slice %arg6[%add3A_134, %dma_start3A_139] : memref<128x32xf32, #tpu.memory_space<vmem>> -> memref<1x32xf32, #tpu.memory_space<vmem>>
      %dma_start3A_141 = arith.constant 0 : i32
      %dma_start3A_142 = tpu.memref_slice %arg3[%squeeze3A_132, %dma_start3A_141] : memref<1000001x32xf32, #tpu.memory_space<hbm>> -> memref<1x32xf32, #tpu.memory_space<hbm>>
      tpu.enqueue_dma source(%dma_start3A_142 : memref<1x32xf32, #tpu.memory_space<hbm>>) target(%dma_start3A_140 : memref<1x32xf32, #tpu.memory_space<vmem>>) target_semaphore(%arg8 : memref<!tpu.dma_semaphore, #tpu.memory_space<semaphore_mem>>)
      %slice3A_143 = vector.extract_strided_slice %get3A_59 {offsets = [7], sizes = [1], strides = [1]} : vector<16xi32> to vector<1xi32>
      %squeeze3A_144 = vector.extract %slice3A_143[0] : i32 from vector<1xi32>
      %add3A_145 = arith.constant 7 : i32
      %add3A_146 = arith.addi %mul3A_61, %add3A_145 : i32
      %dma_start3A_147 = arith.constant 0 : i32
      %dma_start3A_148 = tpu.memref_slice %arg6[%add3A_146, %dma_start3A_147] : memref<128x32xf32, #tpu.memory_space<vmem>> -> memref<1x32xf32, #tpu.memory_space<vmem>>
      %dma_start3A_149 = arith.constant 0 : i32
      %dma_start3A_150 = tpu.memref_slice %arg3[%squeeze3A_144, %dma_start3A_149] : memref<1000001x32xf32, #tpu.memory_space<hbm>> -> memref<1x32xf32, #tpu.memory_space<hbm>>
      %dma_start3A_151 = arith.constant 0 : i32
      %dma_start3A_152 = tpu.memref_slice %arg6[%add3A_146, %dma_start3A_151] : memref<128x32xf32, #tpu.memory_space<vmem>> -> memref<1x32xf32, #tpu.memory_space<vmem>>
      %dma_start3A_153 = arith.constant 0 : i32
      %dma_start3A_154 = tpu.memref_slice %arg3[%squeeze3A_144, %dma_start3A_153] : memref<1000001x32xf32, #tpu.memory_space<hbm>> -> memref<1x32xf32, #tpu.memory_space<hbm>>
      tpu.enqueue_dma source(%dma_start3A_154 : memref<1x32xf32, #tpu.memory_space<hbm>>) target(%dma_start3A_152 : memref<1x32xf32, #tpu.memory_space<vmem>>) target_semaphore(%arg8 : memref<!tpu.dma_semaphore, #tpu.memory_space<semaphore_mem>>)
      %slice3A_155 = vector.extract_strided_slice %get3A_59 {offsets = [8], sizes = [1], strides = [1]} : vector<16xi32> to vector<1xi32>
      %squeeze3A_156 = vector.extract %slice3A_155[0] : i32 from vector<1xi32>
      %add3A_157 = arith.constant 8 : i32
      %add3A_158 = arith.addi %mul3A_61, %add3A_157 : i32
      %dma_start3A_159 = arith.constant 0 : i32
      %dma_start3A_160 = tpu.memref_slice %arg6[%add3A_158, %dma_start3A_159] : memref<128x32xf32, #tpu.memory_space<vmem>> -> memref<1x32xf32, #tpu.memory_space<vmem>>
      %dma_start3A_161 = arith.constant 0 : i32
      %dma_start3A_162 = tpu.memref_slice %arg3[%squeeze3A_156, %dma_start3A_161] : memref<1000001x32xf32, #tpu.memory_space<hbm>> -> memref<1x32xf32, #tpu.memory_space<hbm>>
      %dma_start3A_163 = arith.constant 0 : i32
      %dma_start3A_164 = tpu.memref_slice %arg6[%add3A_158, %dma_start3A_163] : memref<128x32xf32, #tpu.memory_space<vmem>> -> memref<1x32xf32, #tpu.memory_space<vmem>>
      %dma_start3A_165 = arith.constant 0 : i32
      %dma_start3A_166 = tpu.memref_slice %arg3[%squeeze3A_156, %dma_start3A_165] : memref<1000001x32xf32, #tpu.memory_space<hbm>> -> memref<1x32xf32, #tpu.memory_space<hbm>>
      tpu.enqueue_dma source(%dma_start3A_166 : memref<1x32xf32, #tpu.memory_space<hbm>>) target(%dma_start3A_164 : memref<1x32xf32, #tpu.memory_space<vmem>>) target_semaphore(%arg8 : memref<!tpu.dma_semaphore, #tpu.memory_space<semaphore_mem>>)
      %slice3A_167 = vector.extract_strided_slice %get3A_59 {offsets = [9], sizes = [1], strides = [1]} : vector<16xi32> to vector<1xi32>
      %squeeze3A_168 = vector.extract %slice3A_167[0] : i32 from vector<1xi32>
      %add3A_169 = arith.constant 9 : i32
      %add3A_170 = arith.addi %mul3A_61, %add3A_169 : i32
      %dma_start3A_171 = arith.constant 0 : i32
      %dma_start3A_172 = tpu.memref_slice %arg6[%add3A_170, %dma_start3A_171] : memref<128x32xf32, #tpu.memory_space<vmem>> -> memref<1x32xf32, #tpu.memory_space<vmem>>
      %dma_start3A_173 = arith.constant 0 : i32
      %dma_start3A_174 = tpu.memref_slice %arg3[%squeeze3A_168, %dma_start3A_173] : memref<1000001x32xf32, #tpu.memory_space<hbm>> -> memref<1x32xf32, #tpu.memory_space<hbm>>
      %dma_start3A_175 = arith.constant 0 : i32
      %dma_start3A_176 = tpu.memref_slice %arg6[%add3A_170, %dma_start3A_175] : memref<128x32xf32, #tpu.memory_space<vmem>> -> memref<1x32xf32, #tpu.memory_space<vmem>>
      %dma_start3A_177 = arith.constant 0 : i32
      %dma_start3A_178 = tpu.memref_slice %arg3[%squeeze3A_168, %dma_start3A_177] : memref<1000001x32xf32, #tpu.memory_space<hbm>> -> memref<1x32xf32, #tpu.memory_space<hbm>>
      tpu.enqueue_dma source(%dma_start3A_178 : memref<1x32xf32, #tpu.memory_space<hbm>>) target(%dma_start3A_176 : memref<1x32xf32, #tpu.memory_space<vmem>>) target_semaphore(%arg8 : memref<!tpu.dma_semaphore, #tpu.memory_space<semaphore_mem>>)
      %slice3A_179 = vector.extract_strided_slice %get3A_59 {offsets = [10], sizes = [1], strides = [1]} : vector<16xi32> to vector<1xi32>
      %squeeze3A_180 = vector.extract %slice3A_179[0] : i32 from vector<1xi32>
      %add3A_181 = arith.constant 10 : i32
      %add3A_182 = arith.addi %mul3A_61, %add3A_181 : i32
      %dma_start3A_183 = arith.constant 0 : i32
      %dma_start3A_184 = tpu.memref_slice %arg6[%add3A_182, %dma_start3A_183] : memref<128x32xf32, #tpu.memory_space<vmem>> -> memref<1x32xf32, #tpu.memory_space<vmem>>
      %dma_start3A_185 = arith.constant 0 : i32
      %dma_start3A_186 = tpu.memref_slice %arg3[%squeeze3A_180, %dma_start3A_185] : memref<1000001x32xf32, #tpu.memory_space<hbm>> -> memref<1x32xf32, #tpu.memory_space<hbm>>
      %dma_start3A_187 = arith.constant 0 : i32
      %dma_start3A_188 = tpu.memref_slice %arg6[%add3A_182, %dma_start3A_187] : memref<128x32xf32, #tpu.memory_space<vmem>> -> memref<1x32xf32, #tpu.memory_space<vmem>>
      %dma_start3A_189 = arith.constant 0 : i32
      %dma_start3A_190 = tpu.memref_slice %arg3[%squeeze3A_180, %dma_start3A_189] : memref<1000001x32xf32, #tpu.memory_space<hbm>> -> memref<1x32xf32, #tpu.memory_space<hbm>>
      tpu.enqueue_dma source(%dma_start3A_190 : memref<1x32xf32, #tpu.memory_space<hbm>>) target(%dma_start3A_188 : memref<1x32xf32, #tpu.memory_space<vmem>>) target_semaphore(%arg8 : memref<!tpu.dma_semaphore, #tpu.memory_space<semaphore_mem>>)
      %slice3A_191 = vector.extract_strided_slice %get3A_59 {offsets = [11], sizes = [1], strides = [1]} : vector<16xi32> to vector<1xi32>
      %squeeze3A_192 = vector.extract %slice3A_191[0] : i32 from vector<1xi32>
      %add3A_193 = arith.constant 11 : i32
      %add3A_194 = arith.addi %mul3A_61, %add3A_193 : i32
      %dma_start3A_195 = arith.constant 0 : i32
      %dma_start3A_196 = tpu.memref_slice %arg6[%add3A_194, %dma_start3A_195] : memref<128x32xf32, #tpu.memory_space<vmem>> -> memref<1x32xf32, #tpu.memory_space<vmem>>
      %dma_start3A_197 = arith.constant 0 : i32
      %dma_start3A_198 = tpu.memref_slice %arg3[%squeeze3A_192, %dma_start3A_197] : memref<1000001x32xf32, #tpu.memory_space<hbm>> -> memref<1x32xf32, #tpu.memory_space<hbm>>
      %dma_start3A_199 = arith.constant 0 : i32
      %dma_start3A_200 = tpu.memref_slice %arg6[%add3A_194, %dma_start3A_199] : memref<128x32xf32, #tpu.memory_space<vmem>> -> memref<1x32xf32, #tpu.memory_space<vmem>>
      %dma_start3A_201 = arith.constant 0 : i32
      %dma_start3A_202 = tpu.memref_slice %arg3[%squeeze3A_192, %dma_start3A_201] : memref<1000001x32xf32, #tpu.memory_space<hbm>> -> memref<1x32xf32, #tpu.memory_space<hbm>>
      tpu.enqueue_dma source(%dma_start3A_202 : memref<1x32xf32, #tpu.memory_space<hbm>>) target(%dma_start3A_200 : memref<1x32xf32, #tpu.memory_space<vmem>>) target_semaphore(%arg8 : memref<!tpu.dma_semaphore, #tpu.memory_space<semaphore_mem>>)
      %slice3A_203 = vector.extract_strided_slice %get3A_59 {offsets = [12], sizes = [1], strides = [1]} : vector<16xi32> to vector<1xi32>
      %squeeze3A_204 = vector.extract %slice3A_203[0] : i32 from vector<1xi32>
      %add3A_205 = arith.constant 12 : i32
      %add3A_206 = arith.addi %mul3A_61, %add3A_205 : i32
      %dma_start3A_207 = arith.constant 0 : i32
      %dma_start3A_208 = tpu.memref_slice %arg6[%add3A_206, %dma_start3A_207] : memref<128x32xf32, #tpu.memory_space<vmem>> -> memref<1x32xf32, #tpu.memory_space<vmem>>
      %dma_start3A_209 = arith.constant 0 : i32
      %dma_start3A_210 = tpu.memref_slice %arg3[%squeeze3A_204, %dma_start3A_209] : memref<1000001x32xf32, #tpu.memory_space<hbm>> -> memref<1x32xf32, #tpu.memory_space<hbm>>
      %dma_start3A_211 = arith.constant 0 : i32
      %dma_start3A_212 = tpu.memref_slice %arg6[%add3A_206, %dma_start3A_211] : memref<128x32xf32, #tpu.memory_space<vmem>> -> memref<1x32xf32, #tpu.memory_space<vmem>>
      %dma_start3A_213 = arith.constant 0 : i32
      %dma_start3A_214 = tpu.memref_slice %arg3[%squeeze3A_204, %dma_start3A_213] : memref<1000001x32xf32, #tpu.memory_space<hbm>> -> memref<1x32xf32, #tpu.memory_space<hbm>>
      tpu.enqueue_dma source(%dma_start3A_214 : memref<1x32xf32, #tpu.memory_space<hbm>>) target(%dma_start3A_212 : memref<1x32xf32, #tpu.memory_space<vmem>>) target_semaphore(%arg8 : memref<!tpu.dma_semaphore, #tpu.memory_space<semaphore_mem>>)
      %slice3A_215 = vector.extract_strided_slice %get3A_59 {offsets = [13], sizes = [1], strides = [1]} : vector<16xi32> to vector<1xi32>
      %squeeze3A_216 = vector.extract %slice3A_215[0] : i32 from vector<1xi32>
      %add3A_217 = arith.constant 13 : i32
      %add3A_218 = arith.addi %mul3A_61, %add3A_217 : i32
      %dma_start3A_219 = arith.constant 0 : i32
      %dma_start3A_220 = tpu.memref_slice %arg6[%add3A_218, %dma_start3A_219] : memref<128x32xf32, #tpu.memory_space<vmem>> -> memref<1x32xf32, #tpu.memory_space<vmem>>
      %dma_start3A_221 = arith.constant 0 : i32
      %dma_start3A_222 = tpu.memref_slice %arg3[%squeeze3A_216, %dma_start3A_221] : memref<1000001x32xf32, #tpu.memory_space<hbm>> -> memref<1x32xf32, #tpu.memory_space<hbm>>
      %dma_start3A_223 = arith.constant 0 : i32
      %dma_start3A_224 = tpu.memref_slice %arg6[%add3A_218, %dma_start3A_223] : memref<128x32xf32, #tpu.memory_space<vmem>> -> memref<1x32xf32, #tpu.memory_space<vmem>>
      %dma_start3A_225 = arith.constant 0 : i32
      %dma_start3A_226 = tpu.memref_slice %arg3[%squeeze3A_216, %dma_start3A_225] : memref<1000001x32xf32, #tpu.memory_space<hbm>> -> memref<1x32xf32, #tpu.memory_space<hbm>>
      tpu.enqueue_dma source(%dma_start3A_226 : memref<1x32xf32, #tpu.memory_space<hbm>>) target(%dma_start3A_224 : memref<1x32xf32, #tpu.memory_space<vmem>>) target_semaphore(%arg8 : memref<!tpu.dma_semaphore, #tpu.memory_space<semaphore_mem>>)
      %slice3A_227 = vector.extract_strided_slice %get3A_59 {offsets = [14], sizes = [1], strides = [1]} : vector<16xi32> to vector<1xi32>
      %squeeze3A_228 = vector.extract %slice3A_227[0] : i32 from vector<1xi32>
      %add3A_229 = arith.constant 14 : i32
      %add3A_230 = arith.addi %mul3A_61, %add3A_229 : i32
      %dma_start3A_231 = arith.constant 0 : i32
      %dma_start3A_232 = tpu.memref_slice %arg6[%add3A_230, %dma_start3A_231] : memref<128x32xf32, #tpu.memory_space<vmem>> -> memref<1x32xf32, #tpu.memory_space<vmem>>
      %dma_start3A_233 = arith.constant 0 : i32
      %dma_start3A_234 = tpu.memref_slice %arg3[%squeeze3A_228, %dma_start3A_233] : memref<1000001x32xf32, #tpu.memory_space<hbm>> -> memref<1x32xf32, #tpu.memory_space<hbm>>
      %dma_start3A_235 = arith.constant 0 : i32
      %dma_start3A_236 = tpu.memref_slice %arg6[%add3A_230, %dma_start3A_235] : memref<128x32xf32, #tpu.memory_space<vmem>> -> memref<1x32xf32, #tpu.memory_space<vmem>>
      %dma_start3A_237 = arith.constant 0 : i32
      %dma_start3A_238 = tpu.memref_slice %arg3[%squeeze3A_228, %dma_start3A_237] : memref<1000001x32xf32, #tpu.memory_space<hbm>> -> memref<1x32xf32, #tpu.memory_space<hbm>>
      tpu.enqueue_dma source(%dma_start3A_238 : memref<1x32xf32, #tpu.memory_space<hbm>>) target(%dma_start3A_236 : memref<1x32xf32, #tpu.memory_space<vmem>>) target_semaphore(%arg8 : memref<!tpu.dma_semaphore, #tpu.memory_space<semaphore_mem>>)
      %slice3A_239 = vector.extract_strided_slice %get3A_59 {offsets = [15], sizes = [1], strides = [1]} : vector<16xi32> to vector<1xi32>
      %squeeze3A_240 = vector.extract %slice3A_239[0] : i32 from vector<1xi32>
      %add3A_241 = arith.constant 15 : i32
      %add3A_242 = arith.addi %mul3A_61, %add3A_241 : i32
      %dma_start3A_243 = arith.constant 0 : i32
      %dma_start3A_244 = tpu.memref_slice %arg6[%add3A_242, %dma_start3A_243] : memref<128x32xf32, #tpu.memory_space<vmem>> -> memref<1x32xf32, #tpu.memory_space<vmem>>
      %dma_start3A_245 = arith.constant 0 : i32
      %dma_start3A_246 = tpu.memref_slice %arg3[%squeeze3A_240, %dma_start3A_245] : memref<1000001x32xf32, #tpu.memory_space<hbm>> -> memref<1x32xf32, #tpu.memory_space<hbm>>
      %dma_start3A_247 = arith.constant 0 : i32
      %dma_start3A_248 = tpu.memref_slice %arg6[%add3A_242, %dma_start3A_247] : memref<128x32xf32, #tpu.memory_space<vmem>> -> memref<1x32xf32, #tpu.memory_space<vmem>>
      %dma_start3A_249 = arith.constant 0 : i32
      %dma_start3A_250 = tpu.memref_slice %arg3[%squeeze3A_240, %dma_start3A_249] : memref<1000001x32xf32, #tpu.memory_space<hbm>> -> memref<1x32xf32, #tpu.memory_space<hbm>>
      tpu.enqueue_dma source(%dma_start3A_250 : memref<1x32xf32, #tpu.memory_space<hbm>>) target(%dma_start3A_248 : memref<1x32xf32, #tpu.memory_space<vmem>>) target_semaphore(%arg8 : memref<!tpu.dma_semaphore, #tpu.memory_space<semaphore_mem>>)
    }
    %scan3A_6 = arith.constant 8 : i32
    %scan3A_7 = arith.constant 0 : i32
    %scan3A_8 = arith.constant 8 : i32
    %scan3A_9 = arith.addi %scan3A_7, %scan3A_8 : i32
    %scan3A_10 = arith.constant 1 : i32
    scf.for %scan3A_53 = %scan3A_7 to %scan3A_9 step %scan3A_10  : i32 {
      %mul3A_54 = arith.constant 16 : i32
      %mul3A_55 = arith.muli %scan3A_53, %mul3A_54 : i32
      %add3A_56 = arith.constant 128 : i32
      %add3A_57 = arith.addi %add3A_56, %mul3A_55 : i32
      %get3A = arith.index_cast %add3A_57 : i32 to index
      %get3A_58 = tpu.vector_load %arg5[%get3A] {strides = array<i32>} : memref<512xi32, #tpu.memory_space<vmem>>, vector<16xi32>,
      %get3A_59 = vector.shape_cast %get3A_58 : vector<16xi32> to vector<16xi32>
      %mul3A_60 = arith.constant 16 : i32
      %mul3A_61 = arith.muli %scan3A_53, %mul3A_60 : i32
      %slice3A = vector.extract_strided_slice %get3A_59 {offsets = [0], sizes = [1], strides = [1]} : vector<16xi32> to vector<1xi32>
      %squeeze3A = vector.extract %slice3A[0] : i32 from vector<1xi32>
      %add3A_62 = arith.constant 0 : i32
      %add3A_63 = arith.addi %mul3A_61, %add3A_62 : i32
      %dma_start3A = arith.constant 0 : i32
      %dma_start3A_64 = tpu.memref_slice %arg7[%add3A_63, %dma_start3A] : memref<128x32xf32, #tpu.memory_space<vmem>> -> memref<1x32xf32, #tpu.memory_space<vmem>>
      %dma_start3A_65 = arith.constant 0 : i32
      %dma_start3A_66 = tpu.memref_slice %arg3[%squeeze3A, %dma_start3A_65] : memref<1000001x32xf32, #tpu.memory_space<hbm>> -> memref<1x32xf32, #tpu.memory_space<hbm>>
      %dma_start3A_67 = arith.constant 0 : i32
      %dma_start3A_68 = tpu.memref_slice %arg7[%add3A_63, %dma_start3A_67] : memref<128x32xf32, #tpu.memory_space<vmem>> -> memref<1x32xf32, #tpu.memory_space<vmem>>
      %dma_start3A_69 = arith.constant 0 : i32
      %dma_start3A_70 = tpu.memref_slice %arg3[%squeeze3A, %dma_start3A_69] : memref<1000001x32xf32, #tpu.memory_space<hbm>> -> memref<1x32xf32, #tpu.memory_space<hbm>>
      tpu.enqueue_dma source(%dma_start3A_70 : memref<1x32xf32, #tpu.memory_space<hbm>>) target(%dma_start3A_68 : memref<1x32xf32, #tpu.memory_space<vmem>>) target_semaphore(%arg9 : memref<!tpu.dma_semaphore, #tpu.memory_space<semaphore_mem>>)
      %slice3A_71 = vector.extract_strided_slice %get3A_59 {offsets = [1], sizes = [1], strides = [1]} : vector<16xi32> to vector<1xi32>
      %squeeze3A_72 = vector.extract %slice3A_71[0] : i32 from vector<1xi32>
      %add3A_73 = arith.constant 1 : i32
      %add3A_74 = arith.addi %mul3A_61, %add3A_73 : i32
      %dma_start3A_75 = arith.constant 0 : i32
      %dma_start3A_76 = tpu.memref_slice %arg7[%add3A_74, %dma_start3A_75] : memref<128x32xf32, #tpu.memory_space<vmem>> -> memref<1x32xf32, #tpu.memory_space<vmem>>
      %dma_start3A_77 = arith.constant 0 : i32
      %dma_start3A_78 = tpu.memref_slice %arg3[%squeeze3A_72, %dma_start3A_77] : memref<1000001x32xf32, #tpu.memory_space<hbm>> -> memref<1x32xf32, #tpu.memory_space<hbm>>
      %dma_start3A_79 = arith.constant 0 : i32
      %dma_start3A_80 = tpu.memref_slice %arg7[%add3A_74, %dma_start3A_79] : memref<128x32xf32, #tpu.memory_space<vmem>> -> memref<1x32xf32, #tpu.memory_space<vmem>>
      %dma_start3A_81 = arith.constant 0 : i32
      %dma_start3A_82 = tpu.memref_slice %arg3[%squeeze3A_72, %dma_start3A_81] : memref<1000001x32xf32, #tpu.memory_space<hbm>> -> memref<1x32xf32, #tpu.memory_space<hbm>>
      tpu.enqueue_dma source(%dma_start3A_82 : memref<1x32xf32, #tpu.memory_space<hbm>>) target(%dma_start3A_80 : memref<1x32xf32, #tpu.memory_space<vmem>>) target_semaphore(%arg9 : memref<!tpu.dma_semaphore, #tpu.memory_space<semaphore_mem>>)
      %slice3A_83 = vector.extract_strided_slice %get3A_59 {offsets = [2], sizes = [1], strides = [1]} : vector<16xi32> to vector<1xi32>
      %squeeze3A_84 = vector.extract %slice3A_83[0] : i32 from vector<1xi32>
      %add3A_85 = arith.constant 2 : i32
      %add3A_86 = arith.addi %mul3A_61, %add3A_85 : i32
      %dma_start3A_87 = arith.constant 0 : i32
      %dma_start3A_88 = tpu.memref_slice %arg7[%add3A_86, %dma_start3A_87] : memref<128x32xf32, #tpu.memory_space<vmem>> -> memref<1x32xf32, #tpu.memory_space<vmem>>
      %dma_start3A_89 = arith.constant 0 : i32
      %dma_start3A_90 = tpu.memref_slice %arg3[%squeeze3A_84, %dma_start3A_89] : memref<1000001x32xf32, #tpu.memory_space<hbm>> -> memref<1x32xf32, #tpu.memory_space<hbm>>
      %dma_start3A_91 = arith.constant 0 : i32
      %dma_start3A_92 = tpu.memref_slice %arg7[%add3A_86, %dma_start3A_91] : memref<128x32xf32, #tpu.memory_space<vmem>> -> memref<1x32xf32, #tpu.memory_space<vmem>>
      %dma_start3A_93 = arith.constant 0 : i32
      %dma_start3A_94 = tpu.memref_slice %arg3[%squeeze3A_84, %dma_start3A_93] : memref<1000001x32xf32, #tpu.memory_space<hbm>> -> memref<1x32xf32, #tpu.memory_space<hbm>>
      tpu.enqueue_dma source(%dma_start3A_94 : memref<1x32xf32, #tpu.memory_space<hbm>>) target(%dma_start3A_92 : memref<1x32xf32, #tpu.memory_space<vmem>>) target_semaphore(%arg9 : memref<!tpu.dma_semaphore, #tpu.memory_space<semaphore_mem>>)
      %slice3A_95 = vector.extract_strided_slice %get3A_59 {offsets = [3], sizes = [1], strides = [1]} : vector<16xi32> to vector<1xi32>
      %squeeze3A_96 = vector.extract %slice3A_95[0] : i32 from vector<1xi32>
      %add3A_97 = arith.constant 3 : i32
      %add3A_98 = arith.addi %mul3A_61, %add3A_97 : i32
      %dma_start3A_99 = arith.constant 0 : i32
      %dma_start3A_100 = tpu.memref_slice %arg7[%add3A_98, %dma_start3A_99] : memref<128x32xf32, #tpu.memory_space<vmem>> -> memref<1x32xf32, #tpu.memory_space<vmem>>
      %dma_start3A_101 = arith.constant 0 : i32
      %dma_start3A_102 = tpu.memref_slice %arg3[%squeeze3A_96, %dma_start3A_101] : memref<1000001x32xf32, #tpu.memory_space<hbm>> -> memref<1x32xf32, #tpu.memory_space<hbm>>
      %dma_start3A_103 = arith.constant 0 : i32
      %dma_start3A_104 = tpu.memref_slice %arg7[%add3A_98, %dma_start3A_103] : memref<128x32xf32, #tpu.memory_space<vmem>> -> memref<1x32xf32, #tpu.memory_space<vmem>>
      %dma_start3A_105 = arith.constant 0 : i32
      %dma_start3A_106 = tpu.memref_slice %arg3[%squeeze3A_96, %dma_start3A_105] : memref<1000001x32xf32, #tpu.memory_space<hbm>> -> memref<1x32xf32, #tpu.memory_space<hbm>>
      tpu.enqueue_dma source(%dma_start3A_106 : memref<1x32xf32, #tpu.memory_space<hbm>>) target(%dma_start3A_104 : memref<1x32xf32, #tpu.memory_space<vmem>>) target_semaphore(%arg9 : memref<!tpu.dma_semaphore, #tpu.memory_space<semaphore_mem>>)
      %slice3A_107 = vector.extract_strided_slice %get3A_59 {offsets = [4], sizes = [1], strides = [1]} : vector<16xi32> to vector<1xi32>
      %squeeze3A_108 = vector.extract %slice3A_107[0] : i32 from vector<1xi32>
      %add3A_109 = arith.constant 4 : i32
      %add3A_110 = arith.addi %mul3A_61, %add3A_109 : i32
      %dma_start3A_111 = arith.constant 0 : i32
      %dma_start3A_112 = tpu.memref_slice %arg7[%add3A_110, %dma_start3A_111] : memref<128x32xf32, #tpu.memory_space<vmem>> -> memref<1x32xf32, #tpu.memory_space<vmem>>
      %dma_start3A_113 = arith.constant 0 : i32
      %dma_start3A_114 = tpu.memref_slice %arg3[%squeeze3A_108, %dma_start3A_113] : memref<1000001x32xf32, #tpu.memory_space<hbm>> -> memref<1x32xf32, #tpu.memory_space<hbm>>
      %dma_start3A_115 = arith.constant 0 : i32
      %dma_start3A_116 = tpu.memref_slice %arg7[%add3A_110, %dma_start3A_115] : memref<128x32xf32, #tpu.memory_space<vmem>> -> memref<1x32xf32, #tpu.memory_space<vmem>>
      %dma_start3A_117 = arith.constant 0 : i32
      %dma_start3A_118 = tpu.memref_slice %arg3[%squeeze3A_108, %dma_start3A_117] : memref<1000001x32xf32, #tpu.memory_space<hbm>> -> memref<1x32xf32, #tpu.memory_space<hbm>>
      tpu.enqueue_dma source(%dma_start3A_118 : memref<1x32xf32, #tpu.memory_space<hbm>>) target(%dma_start3A_116 : memref<1x32xf32, #tpu.memory_space<vmem>>) target_semaphore(%arg9 : memref<!tpu.dma_semaphore, #tpu.memory_space<semaphore_mem>>)
      %slice3A_119 = vector.extract_strided_slice %get3A_59 {offsets = [5], sizes = [1], strides = [1]} : vector<16xi32> to vector<1xi32>
      %squeeze3A_120 = vector.extract %slice3A_119[0] : i32 from vector<1xi32>
      %add3A_121 = arith.constant 5 : i32
      %add3A_122 = arith.addi %mul3A_61, %add3A_121 : i32
      %dma_start3A_123 = arith.constant 0 : i32
      %dma_start3A_124 = tpu.memref_slice %arg7[%add3A_122, %dma_start3A_123] : memref<128x32xf32, #tpu.memory_space<vmem>> -> memref<1x32xf32, #tpu.memory_space<vmem>>
      %dma_start3A_125 = arith.constant 0 : i32
      %dma_start3A_126 = tpu.memref_slice %arg3[%squeeze3A_120, %dma_start3A_125] : memref<1000001x32xf32, #tpu.memory_space<hbm>> -> memref<1x32xf32, #tpu.memory_space<hbm>>
      %dma_start3A_127 = arith.constant 0 : i32
      %dma_start3A_128 = tpu.memref_slice %arg7[%add3A_122, %dma_start3A_127] : memref<128x32xf32, #tpu.memory_space<vmem>> -> memref<1x32xf32, #tpu.memory_space<vmem>>
      %dma_start3A_129 = arith.constant 0 : i32
      %dma_start3A_130 = tpu.memref_slice %arg3[%squeeze3A_120, %dma_start3A_129] : memref<1000001x32xf32, #tpu.memory_space<hbm>> -> memref<1x32xf32, #tpu.memory_space<hbm>>
      tpu.enqueue_dma source(%dma_start3A_130 : memref<1x32xf32, #tpu.memory_space<hbm>>) target(%dma_start3A_128 : memref<1x32xf32, #tpu.memory_space<vmem>>) target_semaphore(%arg9 : memref<!tpu.dma_semaphore, #tpu.memory_space<semaphore_mem>>)
      %slice3A_131 = vector.extract_strided_slice %get3A_59 {offsets = [6], sizes = [1], strides = [1]} : vector<16xi32> to vector<1xi32>
      %squeeze3A_132 = vector.extract %slice3A_131[0] : i32 from vector<1xi32>
      %add3A_133 = arith.constant 6 : i32
      %add3A_134 = arith.addi %mul3A_61, %add3A_133 : i32
      %dma_start3A_135 = arith.constant 0 : i32
      %dma_start3A_136 = tpu.memref_slice %arg7[%add3A_134, %dma_start3A_135] : memref<128x32xf32, #tpu.memory_space<vmem>> -> memref<1x32xf32, #tpu.memory_space<vmem>>
      %dma_start3A_137 = arith.constant 0 : i32
      %dma_start3A_138 = tpu.memref_slice %arg3[%squeeze3A_132, %dma_start3A_137] : memref<1000001x32xf32, #tpu.memory_space<hbm>> -> memref<1x32xf32, #tpu.memory_space<hbm>>
      %dma_start3A_139 = arith.constant 0 : i32
      %dma_start3A_140 = tpu.memref_slice %arg7[%add3A_134, %dma_start3A_139] : memref<128x32xf32, #tpu.memory_space<vmem>> -> memref<1x32xf32, #tpu.memory_space<vmem>>
      %dma_start3A_141 = arith.constant 0 : i32
      %dma_start3A_142 = tpu.memref_slice %arg3[%squeeze3A_132, %dma_start3A_141] : memref<1000001x32xf32, #tpu.memory_space<hbm>> -> memref<1x32xf32, #tpu.memory_space<hbm>>
      tpu.enqueue_dma source(%dma_start3A_142 : memref<1x32xf32, #tpu.memory_space<hbm>>) target(%dma_start3A_140 : memref<1x32xf32, #tpu.memory_space<vmem>>) target_semaphore(%arg9 : memref<!tpu.dma_semaphore, #tpu.memory_space<semaphore_mem>>)
      %slice3A_143 = vector.extract_strided_slice %get3A_59 {offsets = [7], sizes = [1], strides = [1]} : vector<16xi32> to vector<1xi32>
      %squeeze3A_144 = vector.extract %slice3A_143[0] : i32 from vector<1xi32>
      %add3A_145 = arith.constant 7 : i32
      %add3A_146 = arith.addi %mul3A_61, %add3A_145 : i32
      %dma_start3A_147 = arith.constant 0 : i32
      %dma_start3A_148 = tpu.memref_slice %arg7[%add3A_146, %dma_start3A_147] : memref<128x32xf32, #tpu.memory_space<vmem>> -> memref<1x32xf32, #tpu.memory_space<vmem>>
      %dma_start3A_149 = arith.constant 0 : i32
      %dma_start3A_150 = tpu.memref_slice %arg3[%squeeze3A_144, %dma_start3A_149] : memref<1000001x32xf32, #tpu.memory_space<hbm>> -> memref<1x32xf32, #tpu.memory_space<hbm>>
      %dma_start3A_151 = arith.constant 0 : i32
      %dma_start3A_152 = tpu.memref_slice %arg7[%add3A_146, %dma_start3A_151] : memref<128x32xf32, #tpu.memory_space<vmem>> -> memref<1x32xf32, #tpu.memory_space<vmem>>
      %dma_start3A_153 = arith.constant 0 : i32
      %dma_start3A_154 = tpu.memref_slice %arg3[%squeeze3A_144, %dma_start3A_153] : memref<1000001x32xf32, #tpu.memory_space<hbm>> -> memref<1x32xf32, #tpu.memory_space<hbm>>
      tpu.enqueue_dma source(%dma_start3A_154 : memref<1x32xf32, #tpu.memory_space<hbm>>) target(%dma_start3A_152 : memref<1x32xf32, #tpu.memory_space<vmem>>) target_semaphore(%arg9 : memref<!tpu.dma_semaphore, #tpu.memory_space<semaphore_mem>>)
      %slice3A_155 = vector.extract_strided_slice %get3A_59 {offsets = [8], sizes = [1], strides = [1]} : vector<16xi32> to vector<1xi32>
      %squeeze3A_156 = vector.extract %slice3A_155[0] : i32 from vector<1xi32>
      %add3A_157 = arith.constant 8 : i32
      %add3A_158 = arith.addi %mul3A_61, %add3A_157 : i32
      %dma_start3A_159 = arith.constant 0 : i32
      %dma_start3A_160 = tpu.memref_slice %arg7[%add3A_158, %dma_start3A_159] : memref<128x32xf32, #tpu.memory_space<vmem>> -> memref<1x32xf32, #tpu.memory_space<vmem>>
      %dma_start3A_161 = arith.constant 0 : i32
      %dma_start3A_162 = tpu.memref_slice %arg3[%squeeze3A_156, %dma_start3A_161] : memref<1000001x32xf32, #tpu.memory_space<hbm>> -> memref<1x32xf32, #tpu.memory_space<hbm>>
      %dma_start3A_163 = arith.constant 0 : i32
      %dma_start3A_164 = tpu.memref_slice %arg7[%add3A_158, %dma_start3A_163] : memref<128x32xf32, #tpu.memory_space<vmem>> -> memref<1x32xf32, #tpu.memory_space<vmem>>
      %dma_start3A_165 = arith.constant 0 : i32
      %dma_start3A_166 = tpu.memref_slice %arg3[%squeeze3A_156, %dma_start3A_165] : memref<1000001x32xf32, #tpu.memory_space<hbm>> -> memref<1x32xf32, #tpu.memory_space<hbm>>
      tpu.enqueue_dma source(%dma_start3A_166 : memref<1x32xf32, #tpu.memory_space<hbm>>) target(%dma_start3A_164 : memref<1x32xf32, #tpu.memory_space<vmem>>) target_semaphore(%arg9 : memref<!tpu.dma_semaphore, #tpu.memory_space<semaphore_mem>>)
      %slice3A_167 = vector.extract_strided_slice %get3A_59 {offsets = [9], sizes = [1], strides = [1]} : vector<16xi32> to vector<1xi32>
      %squeeze3A_168 = vector.extract %slice3A_167[0] : i32 from vector<1xi32>
      %add3A_169 = arith.constant 9 : i32
      %add3A_170 = arith.addi %mul3A_61, %add3A_169 : i32
      %dma_start3A_171 = arith.constant 0 : i32
      %dma_start3A_172 = tpu.memref_slice %arg7[%add3A_170, %dma_start3A_171] : memref<128x32xf32, #tpu.memory_space<vmem>> -> memref<1x32xf32, #tpu.memory_space<vmem>>
      %dma_start3A_173 = arith.constant 0 : i32
      %dma_start3A_174 = tpu.memref_slice %arg3[%squeeze3A_168, %dma_start3A_173] : memref<1000001x32xf32, #tpu.memory_space<hbm>> -> memref<1x32xf32, #tpu.memory_space<hbm>>
      %dma_start3A_175 = arith.constant 0 : i32
      %dma_start3A_176 = tpu.memref_slice %arg7[%add3A_170, %dma_start3A_175] : memref<128x32xf32, #tpu.memory_space<vmem>> -> memref<1x32xf32, #tpu.memory_space<vmem>>
      %dma_start3A_177 = arith.constant 0 : i32
      %dma_start3A_178 = tpu.memref_slice %arg3[%squeeze3A_168, %dma_start3A_177] : memref<1000001x32xf32, #tpu.memory_space<hbm>> -> memref<1x32xf32, #tpu.memory_space<hbm>>
      tpu.enqueue_dma source(%dma_start3A_178 : memref<1x32xf32, #tpu.memory_space<hbm>>) target(%dma_start3A_176 : memref<1x32xf32, #tpu.memory_space<vmem>>) target_semaphore(%arg9 : memref<!tpu.dma_semaphore, #tpu.memory_space<semaphore_mem>>)
      %slice3A_179 = vector.extract_strided_slice %get3A_59 {offsets = [10], sizes = [1], strides = [1]} : vector<16xi32> to vector<1xi32>
      %squeeze3A_180 = vector.extract %slice3A_179[0] : i32 from vector<1xi32>
      %add3A_181 = arith.constant 10 : i32
      %add3A_182 = arith.addi %mul3A_61, %add3A_181 : i32
      %dma_start3A_183 = arith.constant 0 : i32
      %dma_start3A_184 = tpu.memref_slice %arg7[%add3A_182, %dma_start3A_183] : memref<128x32xf32, #tpu.memory_space<vmem>> -> memref<1x32xf32, #tpu.memory_space<vmem>>
      %dma_start3A_185 = arith.constant 0 : i32
      %dma_start3A_186 = tpu.memref_slice %arg3[%squeeze3A_180, %dma_start3A_185] : memref<1000001x32xf32, #tpu.memory_space<hbm>> -> memref<1x32xf32, #tpu.memory_space<hbm>>
      %dma_start3A_187 = arith.constant 0 : i32
      %dma_start3A_188 = tpu.memref_slice %arg7[%add3A_182, %dma_start3A_187] : memref<128x32xf32, #tpu.memory_space<vmem>> -> memref<1x32xf32, #tpu.memory_space<vmem>>
      %dma_start3A_189 = arith.constant 0 : i32
      %dma_start3A_190 = tpu.memref_slice %arg3[%squeeze3A_180, %dma_start3A_189] : memref<1000001x32xf32, #tpu.memory_space<hbm>> -> memref<1x32xf32, #tpu.memory_space<hbm>>
      tpu.enqueue_dma source(%dma_start3A_190 : memref<1x32xf32, #tpu.memory_space<hbm>>) target(%dma_start3A_188 : memref<1x32xf32, #tpu.memory_space<vmem>>) target_semaphore(%arg9 : memref<!tpu.dma_semaphore, #tpu.memory_space<semaphore_mem>>)
      %slice3A_191 = vector.extract_strided_slice %get3A_59 {offsets = [11], sizes = [1], strides = [1]} : vector<16xi32> to vector<1xi32>
      %squeeze3A_192 = vector.extract %slice3A_191[0] : i32 from vector<1xi32>
      %add3A_193 = arith.constant 11 : i32
      %add3A_194 = arith.addi %mul3A_61, %add3A_193 : i32
      %dma_start3A_195 = arith.constant 0 : i32
      %dma_start3A_196 = tpu.memref_slice %arg7[%add3A_194, %dma_start3A_195] : memref<128x32xf32, #tpu.memory_space<vmem>> -> memref<1x32xf32, #tpu.memory_space<vmem>>
      %dma_start3A_197 = arith.constant 0 : i32
      %dma_start3A_198 = tpu.memref_slice %arg3[%squeeze3A_192, %dma_start3A_197] : memref<1000001x32xf32, #tpu.memory_space<hbm>> -> memref<1x32xf32, #tpu.memory_space<hbm>>
      %dma_start3A_199 = arith.constant 0 : i32
      %dma_start3A_200 = tpu.memref_slice %arg7[%add3A_194, %dma_start3A_199] : memref<128x32xf32, #tpu.memory_space<vmem>> -> memref<1x32xf32, #tpu.memory_space<vmem>>
      %dma_start3A_201 = arith.constant 0 : i32
      %dma_start3A_202 = tpu.memref_slice %arg3[%squeeze3A_192, %dma_start3A_201] : memref<1000001x32xf32, #tpu.memory_space<hbm>> -> memref<1x32xf32, #tpu.memory_space<hbm>>
      tpu.enqueue_dma source(%dma_start3A_202 : memref<1x32xf32, #tpu.memory_space<hbm>>) target(%dma_start3A_200 : memref<1x32xf32, #tpu.memory_space<vmem>>) target_semaphore(%arg9 : memref<!tpu.dma_semaphore, #tpu.memory_space<semaphore_mem>>)
      %slice3A_203 = vector.extract_strided_slice %get3A_59 {offsets = [12], sizes = [1], strides = [1]} : vector<16xi32> to vector<1xi32>
      %squeeze3A_204 = vector.extract %slice3A_203[0] : i32 from vector<1xi32>
      %add3A_205 = arith.constant 12 : i32
      %add3A_206 = arith.addi %mul3A_61, %add3A_205 : i32
      %dma_start3A_207 = arith.constant 0 : i32
      %dma_start3A_208 = tpu.memref_slice %arg7[%add3A_206, %dma_start3A_207] : memref<128x32xf32, #tpu.memory_space<vmem>> -> memref<1x32xf32, #tpu.memory_space<vmem>>
      %dma_start3A_209 = arith.constant 0 : i32
      %dma_start3A_210 = tpu.memref_slice %arg3[%squeeze3A_204, %dma_start3A_209] : memref<1000001x32xf32, #tpu.memory_space<hbm>> -> memref<1x32xf32, #tpu.memory_space<hbm>>
      %dma_start3A_211 = arith.constant 0 : i32
      %dma_start3A_212 = tpu.memref_slice %arg7[%add3A_206, %dma_start3A_211] : memref<128x32xf32, #tpu.memory_space<vmem>> -> memref<1x32xf32, #tpu.memory_space<vmem>>
      %dma_start3A_213 = arith.constant 0 : i32
      %dma_start3A_214 = tpu.memref_slice %arg3[%squeeze3A_204, %dma_start3A_213] : memref<1000001x32xf32, #tpu.memory_space<hbm>> -> memref<1x32xf32, #tpu.memory_space<hbm>>
      tpu.enqueue_dma source(%dma_start3A_214 : memref<1x32xf32, #tpu.memory_space<hbm>>) target(%dma_start3A_212 : memref<1x32xf32, #tpu.memory_space<vmem>>) target_semaphore(%arg9 : memref<!tpu.dma_semaphore, #tpu.memory_space<semaphore_mem>>)
      %slice3A_215 = vector.extract_strided_slice %get3A_59 {offsets = [13], sizes = [1], strides = [1]} : vector<16xi32> to vector<1xi32>
      %squeeze3A_216 = vector.extract %slice3A_215[0] : i32 from vector<1xi32>
      %add3A_217 = arith.constant 13 : i32
      %add3A_218 = arith.addi %mul3A_61, %add3A_217 : i32
      %dma_start3A_219 = arith.constant 0 : i32
      %dma_start3A_220 = tpu.memref_slice %arg7[%add3A_218, %dma_start3A_219] : memref<128x32xf32, #tpu.memory_space<vmem>> -> memref<1x32xf32, #tpu.memory_space<vmem>>
      %dma_start3A_221 = arith.constant 0 : i32
      %dma_start3A_222 = tpu.memref_slice %arg3[%squeeze3A_216, %dma_start3A_221] : memref<1000001x32xf32, #tpu.memory_space<hbm>> -> memref<1x32xf32, #tpu.memory_space<hbm>>
      %dma_start3A_223 = arith.constant 0 : i32
      %dma_start3A_224 = tpu.memref_slice %arg7[%add3A_218, %dma_start3A_223] : memref<128x32xf32, #tpu.memory_space<vmem>> -> memref<1x32xf32, #tpu.memory_space<vmem>>
      %dma_start3A_225 = arith.constant 0 : i32
      %dma_start3A_226 = tpu.memref_slice %arg3[%squeeze3A_216, %dma_start3A_225] : memref<1000001x32xf32, #tpu.memory_space<hbm>> -> memref<1x32xf32, #tpu.memory_space<hbm>>
      tpu.enqueue_dma source(%dma_start3A_226 : memref<1x32xf32, #tpu.memory_space<hbm>>) target(%dma_start3A_224 : memref<1x32xf32, #tpu.memory_space<vmem>>) target_semaphore(%arg9 : memref<!tpu.dma_semaphore, #tpu.memory_space<semaphore_mem>>)
      %slice3A_227 = vector.extract_strided_slice %get3A_59 {offsets = [14], sizes = [1], strides = [1]} : vector<16xi32> to vector<1xi32>
      %squeeze3A_228 = vector.extract %slice3A_227[0] : i32 from vector<1xi32>
      %add3A_229 = arith.constant 14 : i32
      %add3A_230 = arith.addi %mul3A_61, %add3A_229 : i32
      %dma_start3A_231 = arith.constant 0 : i32
      %dma_start3A_232 = tpu.memref_slice %arg7[%add3A_230, %dma_start3A_231] : memref<128x32xf32, #tpu.memory_space<vmem>> -> memref<1x32xf32, #tpu.memory_space<vmem>>
      %dma_start3A_233 = arith.constant 0 : i32
      %dma_start3A_234 = tpu.memref_slice %arg3[%squeeze3A_228, %dma_start3A_233] : memref<1000001x32xf32, #tpu.memory_space<hbm>> -> memref<1x32xf32, #tpu.memory_space<hbm>>
      %dma_start3A_235 = arith.constant 0 : i32
      %dma_start3A_236 = tpu.memref_slice %arg7[%add3A_230, %dma_start3A_235] : memref<128x32xf32, #tpu.memory_space<vmem>> -> memref<1x32xf32, #tpu.memory_space<vmem>>
      %dma_start3A_237 = arith.constant 0 : i32
      %dma_start3A_238 = tpu.memref_slice %arg3[%squeeze3A_228, %dma_start3A_237] : memref<1000001x32xf32, #tpu.memory_space<hbm>> -> memref<1x32xf32, #tpu.memory_space<hbm>>
      tpu.enqueue_dma source(%dma_start3A_238 : memref<1x32xf32, #tpu.memory_space<hbm>>) target(%dma_start3A_236 : memref<1x32xf32, #tpu.memory_space<vmem>>) target_semaphore(%arg9 : memref<!tpu.dma_semaphore, #tpu.memory_space<semaphore_mem>>)
      %slice3A_239 = vector.extract_strided_slice %get3A_59 {offsets = [15], sizes = [1], strides = [1]} : vector<16xi32> to vector<1xi32>
      %squeeze3A_240 = vector.extract %slice3A_239[0] : i32 from vector<1xi32>
      %add3A_241 = arith.constant 15 : i32
      %add3A_242 = arith.addi %mul3A_61, %add3A_241 : i32
      %dma_start3A_243 = arith.constant 0 : i32
      %dma_start3A_244 = tpu.memref_slice %arg7[%add3A_242, %dma_start3A_243] : memref<128x32xf32, #tpu.memory_space<vmem>> -> memref<1x32xf32, #tpu.memory_space<vmem>>
      %dma_start3A_245 = arith.constant 0 : i32
      %dma_start3A_246 = tpu.memref_slice %arg3[%squeeze3A_240, %dma_start3A_245] : memref<1000001x32xf32, #tpu.memory_space<hbm>> -> memref<1x32xf32, #tpu.memory_space<hbm>>
      %dma_start3A_247 = arith.constant 0 : i32
      %dma_start3A_248 = tpu.memref_slice %arg7[%add3A_242, %dma_start3A_247] : memref<128x32xf32, #tpu.memory_space<vmem>> -> memref<1x32xf32, #tpu.memory_space<vmem>>
      %dma_start3A_249 = arith.constant 0 : i32
      %dma_start3A_250 = tpu.memref_slice %arg3[%squeeze3A_240, %dma_start3A_249] : memref<1000001x32xf32, #tpu.memory_space<hbm>> -> memref<1x32xf32, #tpu.memory_space<hbm>>
      tpu.enqueue_dma source(%dma_start3A_250 : memref<1x32xf32, #tpu.memory_space<hbm>>) target(%dma_start3A_248 : memref<1x32xf32, #tpu.memory_space<vmem>>) target_semaphore(%arg9 : memref<!tpu.dma_semaphore, #tpu.memory_space<semaphore_mem>>)
    }
    %scan3A_11 = arith.constant 8 : i32
    %dma_wait3A = arith.constant 0 : i32
    %dma_wait3A_12 = arith.constant 0 : i32
    %dma_wait3A_13 = tpu.memref_slice %arg3[%dma_wait3A, %dma_wait3A_12] : memref<1000001x32xf32, #tpu.memory_space<hbm>> -> memref<128x32xf32, #tpu.memory_space<hbm>>
    %dma_wait3A_14 = arith.constant 0 : i32
    %dma_wait3A_15 = arith.constant 0 : i32
    %dma_wait3A_16 = tpu.memref_slice %arg3[%dma_wait3A_14, %dma_wait3A_15] : memref<1000001x32xf32, #tpu.memory_space<hbm>> -> memref<128x32xf32, #tpu.memory_space<hbm>>
    tpu.wait_dma2 semaphore(%arg8 : memref<!tpu.dma_semaphore, #tpu.memory_space<semaphore_mem>>) src(%dma_wait3A_16 : memref<128x32xf32, #tpu.memory_space<hbm>>) dst(%arg6 : memref<128x32xf32, #tpu.memory_space<vmem>>)
    %add3A_17 = arith.constant 0 : i32
    %add3A_18 = arith.addi %mul3A_2, %add3A_17 : i32
    "tpu.region"() ({
      %run_scoped3A = tpu.sem_alloc : memref<!tpu.dma_semaphore, #tpu.memory_space<semaphore_mem>>
      %dma_start3A = arith.constant 0 : i32
      %dma_start3A_53 = tpu.memref_slice %arg4[%add3A_18, %dma_start3A] : memref<16384x32xf32, #tpu.memory_space<hbm>> -> memref<128x32xf32, #tpu.memory_space<hbm>>
      %dma_start3A_54 = arith.constant 0 : i32
      %dma_start3A_55 = tpu.memref_slice %arg4[%add3A_18, %dma_start3A_54] : memref<16384x32xf32, #tpu.memory_space<hbm>> -> memref<128x32xf32, #tpu.memory_space<hbm>>
      tpu.enqueue_dma source(%arg6 : memref<128x32xf32, #tpu.memory_space<vmem>>) target(%dma_start3A_55 : memref<128x32xf32, #tpu.memory_space<hbm>>) target_semaphore(%run_scoped3A : memref<!tpu.dma_semaphore, #tpu.memory_space<semaphore_mem>>)
      %dma_wait3A_56 = arith.constant 0 : i32
      %dma_wait3A_57 = tpu.memref_slice %arg4[%add3A_18, %dma_wait3A_56] : memref<16384x32xf32, #tpu.memory_space<hbm>> -> memref<128x32xf32, #tpu.memory_space<hbm>>
      %dma_wait3A_58 = arith.constant 0 : i32
      %dma_wait3A_59 = tpu.memref_slice %arg4[%add3A_18, %dma_wait3A_58] : memref<16384x32xf32, #tpu.memory_space<hbm>> -> memref<128x32xf32, #tpu.memory_space<hbm>>
      tpu.wait_dma2 semaphore(%run_scoped3A : memref<!tpu.dma_semaphore, #tpu.memory_space<semaphore_mem>>) src(%arg6 : memref<128x32xf32, #tpu.memory_space<vmem>>) dst(%dma_wait3A_59 : memref<128x32xf32, #tpu.memory_space<hbm>>)
      tpu.yield
    }) : () -> ()
    %scan3A_19 = arith.constant 0 : i32
    %scan3A_20 = arith.constant 8 : i32
    %scan3A_21 = arith.addi %scan3A_19, %scan3A_20 : i32
    %scan3A_22 = arith.constant 1 : i32
    scf.for %scan3A_53 = %scan3A_19 to %scan3A_21 step %scan3A_22  : i32 {
      %mul3A_54 = arith.constant 16 : i32
      %mul3A_55 = arith.muli %scan3A_53, %mul3A_54 : i32
      %add3A_56 = arith.constant 256 : i32
      %add3A_57 = arith.addi %add3A_56, %mul3A_55 : i32
      %get3A = arith.index_cast %add3A_57 : i32 to index
      %get3A_58 = tpu.vector_load %arg5[%get3A] {strides = array<i32>} : memref<512xi32, #tpu.memory_space<vmem>>, vector<16xi32>,
      %get3A_59 = vector.shape_cast %get3A_58 : vector<16xi32> to vector<16xi32>
      %mul3A_60 = arith.constant 16 : i32
      %mul3A_61 = arith.muli %scan3A_53, %mul3A_60 : i32
      %slice3A = vector.extract_strided_slice %get3A_59 {offsets = [0], sizes = [1], strides = [1]} : vector<16xi32> to vector<1xi32>
      %squeeze3A = vector.extract %slice3A[0] : i32 from vector<1xi32>
      %add3A_62 = arith.constant 0 : i32
      %add3A_63 = arith.addi %mul3A_61, %add3A_62 : i32
      %dma_start3A = arith.constant 0 : i32
      %dma_start3A_64 = tpu.memref_slice %arg6[%add3A_63, %dma_start3A] : memref<128x32xf32, #tpu.memory_space<vmem>> -> memref<1x32xf32, #tpu.memory_space<vmem>>
      %dma_start3A_65 = arith.constant 0 : i32
      %dma_start3A_66 = tpu.memref_slice %arg3[%squeeze3A, %dma_start3A_65] : memref<1000001x32xf32, #tpu.memory_space<hbm>> -> memref<1x32xf32, #tpu.memory_space<hbm>>
      %dma_start3A_67 = arith.constant 0 : i32
      %dma_start3A_68 = tpu.memref_slice %arg6[%add3A_63, %dma_start3A_67] : memref<128x32xf32, #tpu.memory_space<vmem>> -> memref<1x32xf32, #tpu.memory_space<vmem>>
      %dma_start3A_69 = arith.constant 0 : i32
      %dma_start3A_70 = tpu.memref_slice %arg3[%squeeze3A, %dma_start3A_69] : memref<1000001x32xf32, #tpu.memory_space<hbm>> -> memref<1x32xf32, #tpu.memory_space<hbm>>
      tpu.enqueue_dma source(%dma_start3A_70 : memref<1x32xf32, #tpu.memory_space<hbm>>) target(%dma_start3A_68 : memref<1x32xf32, #tpu.memory_space<vmem>>) target_semaphore(%arg8 : memref<!tpu.dma_semaphore, #tpu.memory_space<semaphore_mem>>)
      %slice3A_71 = vector.extract_strided_slice %get3A_59 {offsets = [1], sizes = [1], strides = [1]} : vector<16xi32> to vector<1xi32>
      %squeeze3A_72 = vector.extract %slice3A_71[0] : i32 from vector<1xi32>
      %add3A_73 = arith.constant 1 : i32
      %add3A_74 = arith.addi %mul3A_61, %add3A_73 : i32
      %dma_start3A_75 = arith.constant 0 : i32
      %dma_start3A_76 = tpu.memref_slice %arg6[%add3A_74, %dma_start3A_75] : memref<128x32xf32, #tpu.memory_space<vmem>> -> memref<1x32xf32, #tpu.memory_space<vmem>>
      %dma_start3A_77 = arith.constant 0 : i32
      %dma_start3A_78 = tpu.memref_slice %arg3[%squeeze3A_72, %dma_start3A_77] : memref<1000001x32xf32, #tpu.memory_space<hbm>> -> memref<1x32xf32, #tpu.memory_space<hbm>>
      %dma_start3A_79 = arith.constant 0 : i32
      %dma_start3A_80 = tpu.memref_slice %arg6[%add3A_74, %dma_start3A_79] : memref<128x32xf32, #tpu.memory_space<vmem>> -> memref<1x32xf32, #tpu.memory_space<vmem>>
      %dma_start3A_81 = arith.constant 0 : i32
      %dma_start3A_82 = tpu.memref_slice %arg3[%squeeze3A_72, %dma_start3A_81] : memref<1000001x32xf32, #tpu.memory_space<hbm>> -> memref<1x32xf32, #tpu.memory_space<hbm>>
      tpu.enqueue_dma source(%dma_start3A_82 : memref<1x32xf32, #tpu.memory_space<hbm>>) target(%dma_start3A_80 : memref<1x32xf32, #tpu.memory_space<vmem>>) target_semaphore(%arg8 : memref<!tpu.dma_semaphore, #tpu.memory_space<semaphore_mem>>)
      %slice3A_83 = vector.extract_strided_slice %get3A_59 {offsets = [2], sizes = [1], strides = [1]} : vector<16xi32> to vector<1xi32>
      %squeeze3A_84 = vector.extract %slice3A_83[0] : i32 from vector<1xi32>
      %add3A_85 = arith.constant 2 : i32
      %add3A_86 = arith.addi %mul3A_61, %add3A_85 : i32
      %dma_start3A_87 = arith.constant 0 : i32
      %dma_start3A_88 = tpu.memref_slice %arg6[%add3A_86, %dma_start3A_87] : memref<128x32xf32, #tpu.memory_space<vmem>> -> memref<1x32xf32, #tpu.memory_space<vmem>>
      %dma_start3A_89 = arith.constant 0 : i32
      %dma_start3A_90 = tpu.memref_slice %arg3[%squeeze3A_84, %dma_start3A_89] : memref<1000001x32xf32, #tpu.memory_space<hbm>> -> memref<1x32xf32, #tpu.memory_space<hbm>>
      %dma_start3A_91 = arith.constant 0 : i32
      %dma_start3A_92 = tpu.memref_slice %arg6[%add3A_86, %dma_start3A_91] : memref<128x32xf32, #tpu.memory_space<vmem>> -> memref<1x32xf32, #tpu.memory_space<vmem>>
      %dma_start3A_93 = arith.constant 0 : i32
      %dma_start3A_94 = tpu.memref_slice %arg3[%squeeze3A_84, %dma_start3A_93] : memref<1000001x32xf32, #tpu.memory_space<hbm>> -> memref<1x32xf32, #tpu.memory_space<hbm>>
      tpu.enqueue_dma source(%dma_start3A_94 : memref<1x32xf32, #tpu.memory_space<hbm>>) target(%dma_start3A_92 : memref<1x32xf32, #tpu.memory_space<vmem>>) target_semaphore(%arg8 : memref<!tpu.dma_semaphore, #tpu.memory_space<semaphore_mem>>)
      %slice3A_95 = vector.extract_strided_slice %get3A_59 {offsets = [3], sizes = [1], strides = [1]} : vector<16xi32> to vector<1xi32>
      %squeeze3A_96 = vector.extract %slice3A_95[0] : i32 from vector<1xi32>
      %add3A_97 = arith.constant 3 : i32
      %add3A_98 = arith.addi %mul3A_61, %add3A_97 : i32
      %dma_start3A_99 = arith.constant 0 : i32
      %dma_start3A_100 = tpu.memref_slice %arg6[%add3A_98, %dma_start3A_99] : memref<128x32xf32, #tpu.memory_space<vmem>> -> memref<1x32xf32, #tpu.memory_space<vmem>>
      %dma_start3A_101 = arith.constant 0 : i32
      %dma_start3A_102 = tpu.memref_slice %arg3[%squeeze3A_96, %dma_start3A_101] : memref<1000001x32xf32, #tpu.memory_space<hbm>> -> memref<1x32xf32, #tpu.memory_space<hbm>>
      %dma_start3A_103 = arith.constant 0 : i32
      %dma_start3A_104 = tpu.memref_slice %arg6[%add3A_98, %dma_start3A_103] : memref<128x32xf32, #tpu.memory_space<vmem>> -> memref<1x32xf32, #tpu.memory_space<vmem>>
      %dma_start3A_105 = arith.constant 0 : i32
      %dma_start3A_106 = tpu.memref_slice %arg3[%squeeze3A_96, %dma_start3A_105] : memref<1000001x32xf32, #tpu.memory_space<hbm>> -> memref<1x32xf32, #tpu.memory_space<hbm>>
      tpu.enqueue_dma source(%dma_start3A_106 : memref<1x32xf32, #tpu.memory_space<hbm>>) target(%dma_start3A_104 : memref<1x32xf32, #tpu.memory_space<vmem>>) target_semaphore(%arg8 : memref<!tpu.dma_semaphore, #tpu.memory_space<semaphore_mem>>)
      %slice3A_107 = vector.extract_strided_slice %get3A_59 {offsets = [4], sizes = [1], strides = [1]} : vector<16xi32> to vector<1xi32>
      %squeeze3A_108 = vector.extract %slice3A_107[0] : i32 from vector<1xi32>
      %add3A_109 = arith.constant 4 : i32
      %add3A_110 = arith.addi %mul3A_61, %add3A_109 : i32
      %dma_start3A_111 = arith.constant 0 : i32
      %dma_start3A_112 = tpu.memref_slice %arg6[%add3A_110, %dma_start3A_111] : memref<128x32xf32, #tpu.memory_space<vmem>> -> memref<1x32xf32, #tpu.memory_space<vmem>>
      %dma_start3A_113 = arith.constant 0 : i32
      %dma_start3A_114 = tpu.memref_slice %arg3[%squeeze3A_108, %dma_start3A_113] : memref<1000001x32xf32, #tpu.memory_space<hbm>> -> memref<1x32xf32, #tpu.memory_space<hbm>>
      %dma_start3A_115 = arith.constant 0 : i32
      %dma_start3A_116 = tpu.memref_slice %arg6[%add3A_110, %dma_start3A_115] : memref<128x32xf32, #tpu.memory_space<vmem>> -> memref<1x32xf32, #tpu.memory_space<vmem>>
      %dma_start3A_117 = arith.constant 0 : i32
      %dma_start3A_118 = tpu.memref_slice %arg3[%squeeze3A_108, %dma_start3A_117] : memref<1000001x32xf32, #tpu.memory_space<hbm>> -> memref<1x32xf32, #tpu.memory_space<hbm>>
      tpu.enqueue_dma source(%dma_start3A_118 : memref<1x32xf32, #tpu.memory_space<hbm>>) target(%dma_start3A_116 : memref<1x32xf32, #tpu.memory_space<vmem>>) target_semaphore(%arg8 : memref<!tpu.dma_semaphore, #tpu.memory_space<semaphore_mem>>)
      %slice3A_119 = vector.extract_strided_slice %get3A_59 {offsets = [5], sizes = [1], strides = [1]} : vector<16xi32> to vector<1xi32>
      %squeeze3A_120 = vector.extract %slice3A_119[0] : i32 from vector<1xi32>
      %add3A_121 = arith.constant 5 : i32
      %add3A_122 = arith.addi %mul3A_61, %add3A_121 : i32
      %dma_start3A_123 = arith.constant 0 : i32
      %dma_start3A_124 = tpu.memref_slice %arg6[%add3A_122, %dma_start3A_123] : memref<128x32xf32, #tpu.memory_space<vmem>> -> memref<1x32xf32, #tpu.memory_space<vmem>>
      %dma_start3A_125 = arith.constant 0 : i32
      %dma_start3A_126 = tpu.memref_slice %arg3[%squeeze3A_120, %dma_start3A_125] : memref<1000001x32xf32, #tpu.memory_space<hbm>> -> memref<1x32xf32, #tpu.memory_space<hbm>>
      %dma_start3A_127 = arith.constant 0 : i32
      %dma_start3A_128 = tpu.memref_slice %arg6[%add3A_122, %dma_start3A_127] : memref<128x32xf32, #tpu.memory_space<vmem>> -> memref<1x32xf32, #tpu.memory_space<vmem>>
      %dma_start3A_129 = arith.constant 0 : i32
      %dma_start3A_130 = tpu.memref_slice %arg3[%squeeze3A_120, %dma_start3A_129] : memref<1000001x32xf32, #tpu.memory_space<hbm>> -> memref<1x32xf32, #tpu.memory_space<hbm>>
      tpu.enqueue_dma source(%dma_start3A_130 : memref<1x32xf32, #tpu.memory_space<hbm>>) target(%dma_start3A_128 : memref<1x32xf32, #tpu.memory_space<vmem>>) target_semaphore(%arg8 : memref<!tpu.dma_semaphore, #tpu.memory_space<semaphore_mem>>)
      %slice3A_131 = vector.extract_strided_slice %get3A_59 {offsets = [6], sizes = [1], strides = [1]} : vector<16xi32> to vector<1xi32>
      %squeeze3A_132 = vector.extract %slice3A_131[0] : i32 from vector<1xi32>
      %add3A_133 = arith.constant 6 : i32
      %add3A_134 = arith.addi %mul3A_61, %add3A_133 : i32
      %dma_start3A_135 = arith.constant 0 : i32
      %dma_start3A_136 = tpu.memref_slice %arg6[%add3A_134, %dma_start3A_135] : memref<128x32xf32, #tpu.memory_space<vmem>> -> memref<1x32xf32, #tpu.memory_space<vmem>>
      %dma_start3A_137 = arith.constant 0 : i32
      %dma_start3A_138 = tpu.memref_slice %arg3[%squeeze3A_132, %dma_start3A_137] : memref<1000001x32xf32, #tpu.memory_space<hbm>> -> memref<1x32xf32, #tpu.memory_space<hbm>>
      %dma_start3A_139 = arith.constant 0 : i32
      %dma_start3A_140 = tpu.memref_slice %arg6[%add3A_134, %dma_start3A_139] : memref<128x32xf32, #tpu.memory_space<vmem>> -> memref<1x32xf32, #tpu.memory_space<vmem>>
      %dma_start3A_141 = arith.constant 0 : i32
      %dma_start3A_142 = tpu.memref_slice %arg3[%squeeze3A_132, %dma_start3A_141] : memref<1000001x32xf32, #tpu.memory_space<hbm>> -> memref<1x32xf32, #tpu.memory_space<hbm>>
      tpu.enqueue_dma source(%dma_start3A_142 : memref<1x32xf32, #tpu.memory_space<hbm>>) target(%dma_start3A_140 : memref<1x32xf32, #tpu.memory_space<vmem>>) target_semaphore(%arg8 : memref<!tpu.dma_semaphore, #tpu.memory_space<semaphore_mem>>)
      %slice3A_143 = vector.extract_strided_slice %get3A_59 {offsets = [7], sizes = [1], strides = [1]} : vector<16xi32> to vector<1xi32>
      %squeeze3A_144 = vector.extract %slice3A_143[0] : i32 from vector<1xi32>
      %add3A_145 = arith.constant 7 : i32
      %add3A_146 = arith.addi %mul3A_61, %add3A_145 : i32
      %dma_start3A_147 = arith.constant 0 : i32
      %dma_start3A_148 = tpu.memref_slice %arg6[%add3A_146, %dma_start3A_147] : memref<128x32xf32, #tpu.memory_space<vmem>> -> memref<1x32xf32, #tpu.memory_space<vmem>>
      %dma_start3A_149 = arith.constant 0 : i32
      %dma_start3A_150 = tpu.memref_slice %arg3[%squeeze3A_144, %dma_start3A_149] : memref<1000001x32xf32, #tpu.memory_space<hbm>> -> memref<1x32xf32, #tpu.memory_space<hbm>>
      %dma_start3A_151 = arith.constant 0 : i32
      %dma_start3A_152 = tpu.memref_slice %arg6[%add3A_146, %dma_start3A_151] : memref<128x32xf32, #tpu.memory_space<vmem>> -> memref<1x32xf32, #tpu.memory_space<vmem>>
      %dma_start3A_153 = arith.constant 0 : i32
      %dma_start3A_154 = tpu.memref_slice %arg3[%squeeze3A_144, %dma_start3A_153] : memref<1000001x32xf32, #tpu.memory_space<hbm>> -> memref<1x32xf32, #tpu.memory_space<hbm>>
      tpu.enqueue_dma source(%dma_start3A_154 : memref<1x32xf32, #tpu.memory_space<hbm>>) target(%dma_start3A_152 : memref<1x32xf32, #tpu.memory_space<vmem>>) target_semaphore(%arg8 : memref<!tpu.dma_semaphore, #tpu.memory_space<semaphore_mem>>)
      %slice3A_155 = vector.extract_strided_slice %get3A_59 {offsets = [8], sizes = [1], strides = [1]} : vector<16xi32> to vector<1xi32>
      %squeeze3A_156 = vector.extract %slice3A_155[0] : i32 from vector<1xi32>
      %add3A_157 = arith.constant 8 : i32
      %add3A_158 = arith.addi %mul3A_61, %add3A_157 : i32
      %dma_start3A_159 = arith.constant 0 : i32
      %dma_start3A_160 = tpu.memref_slice %arg6[%add3A_158, %dma_start3A_159] : memref<128x32xf32, #tpu.memory_space<vmem>> -> memref<1x32xf32, #tpu.memory_space<vmem>>
      %dma_start3A_161 = arith.constant 0 : i32
      %dma_start3A_162 = tpu.memref_slice %arg3[%squeeze3A_156, %dma_start3A_161] : memref<1000001x32xf32, #tpu.memory_space<hbm>> -> memref<1x32xf32, #tpu.memory_space<hbm>>
      %dma_start3A_163 = arith.constant 0 : i32
      %dma_start3A_164 = tpu.memref_slice %arg6[%add3A_158, %dma_start3A_163] : memref<128x32xf32, #tpu.memory_space<vmem>> -> memref<1x32xf32, #tpu.memory_space<vmem>>
      %dma_start3A_165 = arith.constant 0 : i32
      %dma_start3A_166 = tpu.memref_slice %arg3[%squeeze3A_156, %dma_start3A_165] : memref<1000001x32xf32, #tpu.memory_space<hbm>> -> memref<1x32xf32, #tpu.memory_space<hbm>>
      tpu.enqueue_dma source(%dma_start3A_166 : memref<1x32xf32, #tpu.memory_space<hbm>>) target(%dma_start3A_164 : memref<1x32xf32, #tpu.memory_space<vmem>>) target_semaphore(%arg8 : memref<!tpu.dma_semaphore, #tpu.memory_space<semaphore_mem>>)
      %slice3A_167 = vector.extract_strided_slice %get3A_59 {offsets = [9], sizes = [1], strides = [1]} : vector<16xi32> to vector<1xi32>
      %squeeze3A_168 = vector.extract %slice3A_167[0] : i32 from vector<1xi32>
      %add3A_169 = arith.constant 9 : i32
      %add3A_170 = arith.addi %mul3A_61, %add3A_169 : i32
      %dma_start3A_171 = arith.constant 0 : i32
      %dma_start3A_172 = tpu.memref_slice %arg6[%add3A_170, %dma_start3A_171] : memref<128x32xf32, #tpu.memory_space<vmem>> -> memref<1x32xf32, #tpu.memory_space<vmem>>
      %dma_start3A_173 = arith.constant 0 : i32
      %dma_start3A_174 = tpu.memref_slice %arg3[%squeeze3A_168, %dma_start3A_173] : memref<1000001x32xf32, #tpu.memory_space<hbm>> -> memref<1x32xf32, #tpu.memory_space<hbm>>
      %dma_start3A_175 = arith.constant 0 : i32
      %dma_start3A_176 = tpu.memref_slice %arg6[%add3A_170, %dma_start3A_175] : memref<128x32xf32, #tpu.memory_space<vmem>> -> memref<1x32xf32, #tpu.memory_space<vmem>>
      %dma_start3A_177 = arith.constant 0 : i32
      %dma_start3A_178 = tpu.memref_slice %arg3[%squeeze3A_168, %dma_start3A_177] : memref<1000001x32xf32, #tpu.memory_space<hbm>> -> memref<1x32xf32, #tpu.memory_space<hbm>>
      tpu.enqueue_dma source(%dma_start3A_178 : memref<1x32xf32, #tpu.memory_space<hbm>>) target(%dma_start3A_176 : memref<1x32xf32, #tpu.memory_space<vmem>>) target_semaphore(%arg8 : memref<!tpu.dma_semaphore, #tpu.memory_space<semaphore_mem>>)
      %slice3A_179 = vector.extract_strided_slice %get3A_59 {offsets = [10], sizes = [1], strides = [1]} : vector<16xi32> to vector<1xi32>
      %squeeze3A_180 = vector.extract %slice3A_179[0] : i32 from vector<1xi32>
      %add3A_181 = arith.constant 10 : i32
      %add3A_182 = arith.addi %mul3A_61, %add3A_181 : i32
      %dma_start3A_183 = arith.constant 0 : i32
      %dma_start3A_184 = tpu.memref_slice %arg6[%add3A_182, %dma_start3A_183] : memref<128x32xf32, #tpu.memory_space<vmem>> -> memref<1x32xf32, #tpu.memory_space<vmem>>
      %dma_start3A_185 = arith.constant 0 : i32
      %dma_start3A_186 = tpu.memref_slice %arg3[%squeeze3A_180, %dma_start3A_185] : memref<1000001x32xf32, #tpu.memory_space<hbm>> -> memref<1x32xf32, #tpu.memory_space<hbm>>
      %dma_start3A_187 = arith.constant 0 : i32
      %dma_start3A_188 = tpu.memref_slice %arg6[%add3A_182, %dma_start3A_187] : memref<128x32xf32, #tpu.memory_space<vmem>> -> memref<1x32xf32, #tpu.memory_space<vmem>>
      %dma_start3A_189 = arith.constant 0 : i32
      %dma_start3A_190 = tpu.memref_slice %arg3[%squeeze3A_180, %dma_start3A_189] : memref<1000001x32xf32, #tpu.memory_space<hbm>> -> memref<1x32xf32, #tpu.memory_space<hbm>>
      tpu.enqueue_dma source(%dma_start3A_190 : memref<1x32xf32, #tpu.memory_space<hbm>>) target(%dma_start3A_188 : memref<1x32xf32, #tpu.memory_space<vmem>>) target_semaphore(%arg8 : memref<!tpu.dma_semaphore, #tpu.memory_space<semaphore_mem>>)
      %slice3A_191 = vector.extract_strided_slice %get3A_59 {offsets = [11], sizes = [1], strides = [1]} : vector<16xi32> to vector<1xi32>
      %squeeze3A_192 = vector.extract %slice3A_191[0] : i32 from vector<1xi32>
      %add3A_193 = arith.constant 11 : i32
      %add3A_194 = arith.addi %mul3A_61, %add3A_193 : i32
      %dma_start3A_195 = arith.constant 0 : i32
      %dma_start3A_196 = tpu.memref_slice %arg6[%add3A_194, %dma_start3A_195] : memref<128x32xf32, #tpu.memory_space<vmem>> -> memref<1x32xf32, #tpu.memory_space<vmem>>
      %dma_start3A_197 = arith.constant 0 : i32
      %dma_start3A_198 = tpu.memref_slice %arg3[%squeeze3A_192, %dma_start3A_197] : memref<1000001x32xf32, #tpu.memory_space<hbm>> -> memref<1x32xf32, #tpu.memory_space<hbm>>
      %dma_start3A_199 = arith.constant 0 : i32
      %dma_start3A_200 = tpu.memref_slice %arg6[%add3A_194, %dma_start3A_199] : memref<128x32xf32, #tpu.memory_space<vmem>> -> memref<1x32xf32, #tpu.memory_space<vmem>>
      %dma_start3A_201 = arith.constant 0 : i32
      %dma_start3A_202 = tpu.memref_slice %arg3[%squeeze3A_192, %dma_start3A_201] : memref<1000001x32xf32, #tpu.memory_space<hbm>> -> memref<1x32xf32, #tpu.memory_space<hbm>>
      tpu.enqueue_dma source(%dma_start3A_202 : memref<1x32xf32, #tpu.memory_space<hbm>>) target(%dma_start3A_200 : memref<1x32xf32, #tpu.memory_space<vmem>>) target_semaphore(%arg8 : memref<!tpu.dma_semaphore, #tpu.memory_space<semaphore_mem>>)
      %slice3A_203 = vector.extract_strided_slice %get3A_59 {offsets = [12], sizes = [1], strides = [1]} : vector<16xi32> to vector<1xi32>
      %squeeze3A_204 = vector.extract %slice3A_203[0] : i32 from vector<1xi32>
      %add3A_205 = arith.constant 12 : i32
      %add3A_206 = arith.addi %mul3A_61, %add3A_205 : i32
      %dma_start3A_207 = arith.constant 0 : i32
      %dma_start3A_208 = tpu.memref_slice %arg6[%add3A_206, %dma_start3A_207] : memref<128x32xf32, #tpu.memory_space<vmem>> -> memref<1x32xf32, #tpu.memory_space<vmem>>
      %dma_start3A_209 = arith.constant 0 : i32
      %dma_start3A_210 = tpu.memref_slice %arg3[%squeeze3A_204, %dma_start3A_209] : memref<1000001x32xf32, #tpu.memory_space<hbm>> -> memref<1x32xf32, #tpu.memory_space<hbm>>
      %dma_start3A_211 = arith.constant 0 : i32
      %dma_start3A_212 = tpu.memref_slice %arg6[%add3A_206, %dma_start3A_211] : memref<128x32xf32, #tpu.memory_space<vmem>> -> memref<1x32xf32, #tpu.memory_space<vmem>>
      %dma_start3A_213 = arith.constant 0 : i32
      %dma_start3A_214 = tpu.memref_slice %arg3[%squeeze3A_204, %dma_start3A_213] : memref<1000001x32xf32, #tpu.memory_space<hbm>> -> memref<1x32xf32, #tpu.memory_space<hbm>>
      tpu.enqueue_dma source(%dma_start3A_214 : memref<1x32xf32, #tpu.memory_space<hbm>>) target(%dma_start3A_212 : memref<1x32xf32, #tpu.memory_space<vmem>>) target_semaphore(%arg8 : memref<!tpu.dma_semaphore, #tpu.memory_space<semaphore_mem>>)
      %slice3A_215 = vector.extract_strided_slice %get3A_59 {offsets = [13], sizes = [1], strides = [1]} : vector<16xi32> to vector<1xi32>
      %squeeze3A_216 = vector.extract %slice3A_215[0] : i32 from vector<1xi32>
      %add3A_217 = arith.constant 13 : i32
      %add3A_218 = arith.addi %mul3A_61, %add3A_217 : i32
      %dma_start3A_219 = arith.constant 0 : i32
      %dma_start3A_220 = tpu.memref_slice %arg6[%add3A_218, %dma_start3A_219] : memref<128x32xf32, #tpu.memory_space<vmem>> -> memref<1x32xf32, #tpu.memory_space<vmem>>
      %dma_start3A_221 = arith.constant 0 : i32
      %dma_start3A_222 = tpu.memref_slice %arg3[%squeeze3A_216, %dma_start3A_221] : memref<1000001x32xf32, #tpu.memory_space<hbm>> -> memref<1x32xf32, #tpu.memory_space<hbm>>
      %dma_start3A_223 = arith.constant 0 : i32
      %dma_start3A_224 = tpu.memref_slice %arg6[%add3A_218, %dma_start3A_223] : memref<128x32xf32, #tpu.memory_space<vmem>> -> memref<1x32xf32, #tpu.memory_space<vmem>>
      %dma_start3A_225 = arith.constant 0 : i32
      %dma_start3A_226 = tpu.memref_slice %arg3[%squeeze3A_216, %dma_start3A_225] : memref<1000001x32xf32, #tpu.memory_space<hbm>> -> memref<1x32xf32, #tpu.memory_space<hbm>>
      tpu.enqueue_dma source(%dma_start3A_226 : memref<1x32xf32, #tpu.memory_space<hbm>>) target(%dma_start3A_224 : memref<1x32xf32, #tpu.memory_space<vmem>>) target_semaphore(%arg8 : memref<!tpu.dma_semaphore, #tpu.memory_space<semaphore_mem>>)
      %slice3A_227 = vector.extract_strided_slice %get3A_59 {offsets = [14], sizes = [1], strides = [1]} : vector<16xi32> to vector<1xi32>
      %squeeze3A_228 = vector.extract %slice3A_227[0] : i32 from vector<1xi32>
      %add3A_229 = arith.constant 14 : i32
      %add3A_230 = arith.addi %mul3A_61, %add3A_229 : i32
      %dma_start3A_231 = arith.constant 0 : i32
      %dma_start3A_232 = tpu.memref_slice %arg6[%add3A_230, %dma_start3A_231] : memref<128x32xf32, #tpu.memory_space<vmem>> -> memref<1x32xf32, #tpu.memory_space<vmem>>
      %dma_start3A_233 = arith.constant 0 : i32
      %dma_start3A_234 = tpu.memref_slice %arg3[%squeeze3A_228, %dma_start3A_233] : memref<1000001x32xf32, #tpu.memory_space<hbm>> -> memref<1x32xf32, #tpu.memory_space<hbm>>
      %dma_start3A_235 = arith.constant 0 : i32
      %dma_start3A_236 = tpu.memref_slice %arg6[%add3A_230, %dma_start3A_235] : memref<128x32xf32, #tpu.memory_space<vmem>> -> memref<1x32xf32, #tpu.memory_space<vmem>>
      %dma_start3A_237 = arith.constant 0 : i32
      %dma_start3A_238 = tpu.memref_slice %arg3[%squeeze3A_228, %dma_start3A_237] : memref<1000001x32xf32, #tpu.memory_space<hbm>> -> memref<1x32xf32, #tpu.memory_space<hbm>>
      tpu.enqueue_dma source(%dma_start3A_238 : memref<1x32xf32, #tpu.memory_space<hbm>>) target(%dma_start3A_236 : memref<1x32xf32, #tpu.memory_space<vmem>>) target_semaphore(%arg8 : memref<!tpu.dma_semaphore, #tpu.memory_space<semaphore_mem>>)
      %slice3A_239 = vector.extract_strided_slice %get3A_59 {offsets = [15], sizes = [1], strides = [1]} : vector<16xi32> to vector<1xi32>
      %squeeze3A_240 = vector.extract %slice3A_239[0] : i32 from vector<1xi32>
      %add3A_241 = arith.constant 15 : i32
      %add3A_242 = arith.addi %mul3A_61, %add3A_241 : i32
      %dma_start3A_243 = arith.constant 0 : i32
      %dma_start3A_244 = tpu.memref_slice %arg6[%add3A_242, %dma_start3A_243] : memref<128x32xf32, #tpu.memory_space<vmem>> -> memref<1x32xf32, #tpu.memory_space<vmem>>
      %dma_start3A_245 = arith.constant 0 : i32
      %dma_start3A_246 = tpu.memref_slice %arg3[%squeeze3A_240, %dma_start3A_245] : memref<1000001x32xf32, #tpu.memory_space<hbm>> -> memref<1x32xf32, #tpu.memory_space<hbm>>
      %dma_start3A_247 = arith.constant 0 : i32
      %dma_start3A_248 = tpu.memref_slice %arg6[%add3A_242, %dma_start3A_247] : memref<128x32xf32, #tpu.memory_space<vmem>> -> memref<1x32xf32, #tpu.memory_space<vmem>>
      %dma_start3A_249 = arith.constant 0 : i32
      %dma_start3A_250 = tpu.memref_slice %arg3[%squeeze3A_240, %dma_start3A_249] : memref<1000001x32xf32, #tpu.memory_space<hbm>> -> memref<1x32xf32, #tpu.memory_space<hbm>>
      tpu.enqueue_dma source(%dma_start3A_250 : memref<1x32xf32, #tpu.memory_space<hbm>>) target(%dma_start3A_248 : memref<1x32xf32, #tpu.memory_space<vmem>>) target_semaphore(%arg8 : memref<!tpu.dma_semaphore, #tpu.memory_space<semaphore_mem>>)
    }
    %scan3A_23 = arith.constant 8 : i32
    %dma_wait3A_24 = arith.constant 0 : i32
    %dma_wait3A_25 = arith.constant 0 : i32
    %dma_wait3A_26 = tpu.memref_slice %arg3[%dma_wait3A_24, %dma_wait3A_25] : memref<1000001x32xf32, #tpu.memory_space<hbm>> -> memref<128x32xf32, #tpu.memory_space<hbm>>
    %dma_wait3A_27 = arith.constant 0 : i32
    %dma_wait3A_28 = arith.constant 0 : i32
    %dma_wait3A_29 = tpu.memref_slice %arg3[%dma_wait3A_27, %dma_wait3A_28] : memref<1000001x32xf32, #tpu.memory_space<hbm>> -> memref<128x32xf32, #tpu.memory_space<hbm>>
    tpu.wait_dma2 semaphore(%arg9 : memref<!tpu.dma_semaphore, #tpu.memory_space<semaphore_mem>>) src(%dma_wait3A_29 : memref<128x32xf32, #tpu.memory_space<hbm>>) dst(%arg7 : memref<128x32xf32, #tpu.memory_space<vmem>>)
    %add3A_30 = arith.constant 128 : i32
    %add3A_31 = arith.addi %mul3A_2, %add3A_30 : i32
    "tpu.region"() ({
      %run_scoped3A = tpu.sem_alloc : memref<!tpu.dma_semaphore, #tpu.memory_space<semaphore_mem>>
      %dma_start3A = arith.constant 0 : i32
      %dma_start3A_53 = tpu.memref_slice %arg4[%add3A_31, %dma_start3A] : memref<16384x32xf32, #tpu.memory_space<hbm>> -> memref<128x32xf32, #tpu.memory_space<hbm>>
      %dma_start3A_54 = arith.constant 0 : i32
      %dma_start3A_55 = tpu.memref_slice %arg4[%add3A_31, %dma_start3A_54] : memref<16384x32xf32, #tpu.memory_space<hbm>> -> memref<128x32xf32, #tpu.memory_space<hbm>>
      tpu.enqueue_dma source(%arg7 : memref<128x32xf32, #tpu.memory_space<vmem>>) target(%dma_start3A_55 : memref<128x32xf32, #tpu.memory_space<hbm>>) target_semaphore(%run_scoped3A : memref<!tpu.dma_semaphore, #tpu.memory_space<semaphore_mem>>)
      %dma_wait3A_56 = arith.constant 0 : i32
      %dma_wait3A_57 = tpu.memref_slice %arg4[%add3A_31, %dma_wait3A_56] : memref<16384x32xf32, #tpu.memory_space<hbm>> -> memref<128x32xf32, #tpu.memory_space<hbm>>
      %dma_wait3A_58 = arith.constant 0 : i32
      %dma_wait3A_59 = tpu.memref_slice %arg4[%add3A_31, %dma_wait3A_58] : memref<16384x32xf32, #tpu.memory_space<hbm>> -> memref<128x32xf32, #tpu.memory_space<hbm>>
      tpu.wait_dma2 semaphore(%run_scoped3A : memref<!tpu.dma_semaphore, #tpu.memory_space<semaphore_mem>>) src(%arg7 : memref<128x32xf32, #tpu.memory_space<vmem>>) dst(%dma_wait3A_59 : memref<128x32xf32, #tpu.memory_space<hbm>>)
      tpu.yield
    }) : () -> ()
    %scan3A_32 = arith.constant 0 : i32
    %scan3A_33 = arith.constant 8 : i32
    %scan3A_34 = arith.addi %scan3A_32, %scan3A_33 : i32
    %scan3A_35 = arith.constant 1 : i32
    scf.for %scan3A_53 = %scan3A_32 to %scan3A_34 step %scan3A_35  : i32 {
      %mul3A_54 = arith.constant 16 : i32
      %mul3A_55 = arith.muli %scan3A_53, %mul3A_54 : i32
      %add3A_56 = arith.constant 384 : i32
      %add3A_57 = arith.addi %add3A_56, %mul3A_55 : i32
      %get3A = arith.index_cast %add3A_57 : i32 to index
      %get3A_58 = tpu.vector_load %arg5[%get3A] {strides = array<i32>} : memref<512xi32, #tpu.memory_space<vmem>>, vector<16xi32>,
      %get3A_59 = vector.shape_cast %get3A_58 : vector<16xi32> to vector<16xi32>
      %mul3A_60 = arith.constant 16 : i32
      %mul3A_61 = arith.muli %scan3A_53, %mul3A_60 : i32
      %slice3A = vector.extract_strided_slice %get3A_59 {offsets = [0], sizes = [1], strides = [1]} : vector<16xi32> to vector<1xi32>
      %squeeze3A = vector.extract %slice3A[0] : i32 from vector<1xi32>
      %add3A_62 = arith.constant 0 : i32
      %add3A_63 = arith.addi %mul3A_61, %add3A_62 : i32
      %dma_start3A = arith.constant 0 : i32
      %dma_start3A_64 = tpu.memref_slice %arg7[%add3A_63, %dma_start3A] : memref<128x32xf32, #tpu.memory_space<vmem>> -> memref<1x32xf32, #tpu.memory_space<vmem>>
      %dma_start3A_65 = arith.constant 0 : i32
      %dma_start3A_66 = tpu.memref_slice %arg3[%squeeze3A, %dma_start3A_65] : memref<1000001x32xf32, #tpu.memory_space<hbm>> -> memref<1x32xf32, #tpu.memory_space<hbm>>
      %dma_start3A_67 = arith.constant 0 : i32
      %dma_start3A_68 = tpu.memref_slice %arg7[%add3A_63, %dma_start3A_67] : memref<128x32xf32, #tpu.memory_space<vmem>> -> memref<1x32xf32, #tpu.memory_space<vmem>>
      %dma_start3A_69 = arith.constant 0 : i32
      %dma_start3A_70 = tpu.memref_slice %arg3[%squeeze3A, %dma_start3A_69] : memref<1000001x32xf32, #tpu.memory_space<hbm>> -> memref<1x32xf32, #tpu.memory_space<hbm>>
      tpu.enqueue_dma source(%dma_start3A_70 : memref<1x32xf32, #tpu.memory_space<hbm>>) target(%dma_start3A_68 : memref<1x32xf32, #tpu.memory_space<vmem>>) target_semaphore(%arg9 : memref<!tpu.dma_semaphore, #tpu.memory_space<semaphore_mem>>)
      %slice3A_71 = vector.extract_strided_slice %get3A_59 {offsets = [1], sizes = [1], strides = [1]} : vector<16xi32> to vector<1xi32>
      %squeeze3A_72 = vector.extract %slice3A_71[0] : i32 from vector<1xi32>
      %add3A_73 = arith.constant 1 : i32
      %add3A_74 = arith.addi %mul3A_61, %add3A_73 : i32
      %dma_start3A_75 = arith.constant 0 : i32
      %dma_start3A_76 = tpu.memref_slice %arg7[%add3A_74, %dma_start3A_75] : memref<128x32xf32, #tpu.memory_space<vmem>> -> memref<1x32xf32, #tpu.memory_space<vmem>>
      %dma_start3A_77 = arith.constant 0 : i32
      %dma_start3A_78 = tpu.memref_slice %arg3[%squeeze3A_72, %dma_start3A_77] : memref<1000001x32xf32, #tpu.memory_space<hbm>> -> memref<1x32xf32, #tpu.memory_space<hbm>>
      %dma_start3A_79 = arith.constant 0 : i32
      %dma_start3A_80 = tpu.memref_slice %arg7[%add3A_74, %dma_start3A_79] : memref<128x32xf32, #tpu.memory_space<vmem>> -> memref<1x32xf32, #tpu.memory_space<vmem>>
      %dma_start3A_81 = arith.constant 0 : i32
      %dma_start3A_82 = tpu.memref_slice %arg3[%squeeze3A_72, %dma_start3A_81] : memref<1000001x32xf32, #tpu.memory_space<hbm>> -> memref<1x32xf32, #tpu.memory_space<hbm>>
      tpu.enqueue_dma source(%dma_start3A_82 : memref<1x32xf32, #tpu.memory_space<hbm>>) target(%dma_start3A_80 : memref<1x32xf32, #tpu.memory_space<vmem>>) target_semaphore(%arg9 : memref<!tpu.dma_semaphore, #tpu.memory_space<semaphore_mem>>)
      %slice3A_83 = vector.extract_strided_slice %get3A_59 {offsets = [2], sizes = [1], strides = [1]} : vector<16xi32> to vector<1xi32>
      %squeeze3A_84 = vector.extract %slice3A_83[0] : i32 from vector<1xi32>
      %add3A_85 = arith.constant 2 : i32
      %add3A_86 = arith.addi %mul3A_61, %add3A_85 : i32
      %dma_start3A_87 = arith.constant 0 : i32
      %dma_start3A_88 = tpu.memref_slice %arg7[%add3A_86, %dma_start3A_87] : memref<128x32xf32, #tpu.memory_space<vmem>> -> memref<1x32xf32, #tpu.memory_space<vmem>>
      %dma_start3A_89 = arith.constant 0 : i32
      %dma_start3A_90 = tpu.memref_slice %arg3[%squeeze3A_84, %dma_start3A_89] : memref<1000001x32xf32, #tpu.memory_space<hbm>> -> memref<1x32xf32, #tpu.memory_space<hbm>>
      %dma_start3A_91 = arith.constant 0 : i32
      %dma_start3A_92 = tpu.memref_slice %arg7[%add3A_86, %dma_start3A_91] : memref<128x32xf32, #tpu.memory_space<vmem>> -> memref<1x32xf32, #tpu.memory_space<vmem>>
      %dma_start3A_93 = arith.constant 0 : i32
      %dma_start3A_94 = tpu.memref_slice %arg3[%squeeze3A_84, %dma_start3A_93] : memref<1000001x32xf32, #tpu.memory_space<hbm>> -> memref<1x32xf32, #tpu.memory_space<hbm>>
      tpu.enqueue_dma source(%dma_start3A_94 : memref<1x32xf32, #tpu.memory_space<hbm>>) target(%dma_start3A_92 : memref<1x32xf32, #tpu.memory_space<vmem>>) target_semaphore(%arg9 : memref<!tpu.dma_semaphore, #tpu.memory_space<semaphore_mem>>)
      %slice3A_95 = vector.extract_strided_slice %get3A_59 {offsets = [3], sizes = [1], strides = [1]} : vector<16xi32> to vector<1xi32>
      %squeeze3A_96 = vector.extract %slice3A_95[0] : i32 from vector<1xi32>
      %add3A_97 = arith.constant 3 : i32
      %add3A_98 = arith.addi %mul3A_61, %add3A_97 : i32
      %dma_start3A_99 = arith.constant 0 : i32
      %dma_start3A_100 = tpu.memref_slice %arg7[%add3A_98, %dma_start3A_99] : memref<128x32xf32, #tpu.memory_space<vmem>> -> memref<1x32xf32, #tpu.memory_space<vmem>>
      %dma_start3A_101 = arith.constant 0 : i32
      %dma_start3A_102 = tpu.memref_slice %arg3[%squeeze3A_96, %dma_start3A_101] : memref<1000001x32xf32, #tpu.memory_space<hbm>> -> memref<1x32xf32, #tpu.memory_space<hbm>>
      %dma_start3A_103 = arith.constant 0 : i32
      %dma_start3A_104 = tpu.memref_slice %arg7[%add3A_98, %dma_start3A_103] : memref<128x32xf32, #tpu.memory_space<vmem>> -> memref<1x32xf32, #tpu.memory_space<vmem>>
      %dma_start3A_105 = arith.constant 0 : i32
      %dma_start3A_106 = tpu.memref_slice %arg3[%squeeze3A_96, %dma_start3A_105] : memref<1000001x32xf32, #tpu.memory_space<hbm>> -> memref<1x32xf32, #tpu.memory_space<hbm>>
      tpu.enqueue_dma source(%dma_start3A_106 : memref<1x32xf32, #tpu.memory_space<hbm>>) target(%dma_start3A_104 : memref<1x32xf32, #tpu.memory_space<vmem>>) target_semaphore(%arg9 : memref<!tpu.dma_semaphore, #tpu.memory_space<semaphore_mem>>)
      %slice3A_107 = vector.extract_strided_slice %get3A_59 {offsets = [4], sizes = [1], strides = [1]} : vector<16xi32> to vector<1xi32>
      %squeeze3A_108 = vector.extract %slice3A_107[0] : i32 from vector<1xi32>
      %add3A_109 = arith.constant 4 : i32
      %add3A_110 = arith.addi %mul3A_61, %add3A_109 : i32
      %dma_start3A_111 = arith.constant 0 : i32
      %dma_start3A_112 = tpu.memref_slice %arg7[%add3A_110, %dma_start3A_111] : memref<128x32xf32, #tpu.memory_space<vmem>> -> memref<1x32xf32, #tpu.memory_space<vmem>>
      %dma_start3A_113 = arith.constant 0 : i32
      %dma_start3A_114 = tpu.memref_slice %arg3[%squeeze3A_108, %dma_start3A_113] : memref<1000001x32xf32, #tpu.memory_space<hbm>> -> memref<1x32xf32, #tpu.memory_space<hbm>>
      %dma_start3A_115 = arith.constant 0 : i32
      %dma_start3A_116 = tpu.memref_slice %arg7[%add3A_110, %dma_start3A_115] : memref<128x32xf32, #tpu.memory_space<vmem>> -> memref<1x32xf32, #tpu.memory_space<vmem>>
      %dma_start3A_117 = arith.constant 0 : i32
      %dma_start3A_118 = tpu.memref_slice %arg3[%squeeze3A_108, %dma_start3A_117] : memref<1000001x32xf32, #tpu.memory_space<hbm>> -> memref<1x32xf32, #tpu.memory_space<hbm>>
      tpu.enqueue_dma source(%dma_start3A_118 : memref<1x32xf32, #tpu.memory_space<hbm>>) target(%dma_start3A_116 : memref<1x32xf32, #tpu.memory_space<vmem>>) target_semaphore(%arg9 : memref<!tpu.dma_semaphore, #tpu.memory_space<semaphore_mem>>)
      %slice3A_119 = vector.extract_strided_slice %get3A_59 {offsets = [5], sizes = [1], strides = [1]} : vector<16xi32> to vector<1xi32>
      %squeeze3A_120 = vector.extract %slice3A_119[0] : i32 from vector<1xi32>
      %add3A_121 = arith.constant 5 : i32
      %add3A_122 = arith.addi %mul3A_61, %add3A_121 : i32
      %dma_start3A_123 = arith.constant 0 : i32
      %dma_start3A_124 = tpu.memref_slice %arg7[%add3A_122, %dma_start3A_123] : memref<128x32xf32, #tpu.memory_space<vmem>> -> memref<1x32xf32, #tpu.memory_space<vmem>>
      %dma_start3A_125 = arith.constant 0 : i32
      %dma_start3A_126 = tpu.memref_slice %arg3[%squeeze3A_120, %dma_start3A_125] : memref<1000001x32xf32, #tpu.memory_space<hbm>> -> memref<1x32xf32, #tpu.memory_space<hbm>>
      %dma_start3A_127 = arith.constant 0 : i32
      %dma_start3A_128 = tpu.memref_slice %arg7[%add3A_122, %dma_start3A_127] : memref<128x32xf32, #tpu.memory_space<vmem>> -> memref<1x32xf32, #tpu.memory_space<vmem>>
      %dma_start3A_129 = arith.constant 0 : i32
      %dma_start3A_130 = tpu.memref_slice %arg3[%squeeze3A_120, %dma_start3A_129] : memref<1000001x32xf32, #tpu.memory_space<hbm>> -> memref<1x32xf32, #tpu.memory_space<hbm>>
      tpu.enqueue_dma source(%dma_start3A_130 : memref<1x32xf32, #tpu.memory_space<hbm>>) target(%dma_start3A_128 : memref<1x32xf32, #tpu.memory_space<vmem>>) target_semaphore(%arg9 : memref<!tpu.dma_semaphore, #tpu.memory_space<semaphore_mem>>)
      %slice3A_131 = vector.extract_strided_slice %get3A_59 {offsets = [6], sizes = [1], strides = [1]} : vector<16xi32> to vector<1xi32>
      %squeeze3A_132 = vector.extract %slice3A_131[0] : i32 from vector<1xi32>
      %add3A_133 = arith.constant 6 : i32
      %add3A_134 = arith.addi %mul3A_61, %add3A_133 : i32
      %dma_start3A_135 = arith.constant 0 : i32
      %dma_start3A_136 = tpu.memref_slice %arg7[%add3A_134, %dma_start3A_135] : memref<128x32xf32, #tpu.memory_space<vmem>> -> memref<1x32xf32, #tpu.memory_space<vmem>>
      %dma_start3A_137 = arith.constant 0 : i32
      %dma_start3A_138 = tpu.memref_slice %arg3[%squeeze3A_132, %dma_start3A_137] : memref<1000001x32xf32, #tpu.memory_space<hbm>> -> memref<1x32xf32, #tpu.memory_space<hbm>>
      %dma_start3A_139 = arith.constant 0 : i32
      %dma_start3A_140 = tpu.memref_slice %arg7[%add3A_134, %dma_start3A_139] : memref<128x32xf32, #tpu.memory_space<vmem>> -> memref<1x32xf32, #tpu.memory_space<vmem>>
      %dma_start3A_141 = arith.constant 0 : i32
      %dma_start3A_142 = tpu.memref_slice %arg3[%squeeze3A_132, %dma_start3A_141] : memref<1000001x32xf32, #tpu.memory_space<hbm>> -> memref<1x32xf32, #tpu.memory_space<hbm>>
      tpu.enqueue_dma source(%dma_start3A_142 : memref<1x32xf32, #tpu.memory_space<hbm>>) target(%dma_start3A_140 : memref<1x32xf32, #tpu.memory_space<vmem>>) target_semaphore(%arg9 : memref<!tpu.dma_semaphore, #tpu.memory_space<semaphore_mem>>)
      %slice3A_143 = vector.extract_strided_slice %get3A_59 {offsets = [7], sizes = [1], strides = [1]} : vector<16xi32> to vector<1xi32>
      %squeeze3A_144 = vector.extract %slice3A_143[0] : i32 from vector<1xi32>
      %add3A_145 = arith.constant 7 : i32
      %add3A_146 = arith.addi %mul3A_61, %add3A_145 : i32
      %dma_start3A_147 = arith.constant 0 : i32
      %dma_start3A_148 = tpu.memref_slice %arg7[%add3A_146, %dma_start3A_147] : memref<128x32xf32, #tpu.memory_space<vmem>> -> memref<1x32xf32, #tpu.memory_space<vmem>>
      %dma_start3A_149 = arith.constant 0 : i32
      %dma_start3A_150 = tpu.memref_slice %arg3[%squeeze3A_144, %dma_start3A_149] : memref<1000001x32xf32, #tpu.memory_space<hbm>> -> memref<1x32xf32, #tpu.memory_space<hbm>>
      %dma_start3A_151 = arith.constant 0 : i32
      %dma_start3A_152 = tpu.memref_slice %arg7[%add3A_146, %dma_start3A_151] : memref<128x32xf32, #tpu.memory_space<vmem>> -> memref<1x32xf32, #tpu.memory_space<vmem>>
      %dma_start3A_153 = arith.constant 0 : i32
      %dma_start3A_154 = tpu.memref_slice %arg3[%squeeze3A_144, %dma_start3A_153] : memref<1000001x32xf32, #tpu.memory_space<hbm>> -> memref<1x32xf32, #tpu.memory_space<hbm>>
      tpu.enqueue_dma source(%dma_start3A_154 : memref<1x32xf32, #tpu.memory_space<hbm>>) target(%dma_start3A_152 : memref<1x32xf32, #tpu.memory_space<vmem>>) target_semaphore(%arg9 : memref<!tpu.dma_semaphore, #tpu.memory_space<semaphore_mem>>)
      %slice3A_155 = vector.extract_strided_slice %get3A_59 {offsets = [8], sizes = [1], strides = [1]} : vector<16xi32> to vector<1xi32>
      %squeeze3A_156 = vector.extract %slice3A_155[0] : i32 from vector<1xi32>
      %add3A_157 = arith.constant 8 : i32
      %add3A_158 = arith.addi %mul3A_61, %add3A_157 : i32
      %dma_start3A_159 = arith.constant 0 : i32
      %dma_start3A_160 = tpu.memref_slice %arg7[%add3A_158, %dma_start3A_159] : memref<128x32xf32, #tpu.memory_space<vmem>> -> memref<1x32xf32, #tpu.memory_space<vmem>>
      %dma_start3A_161 = arith.constant 0 : i32
      %dma_start3A_162 = tpu.memref_slice %arg3[%squeeze3A_156, %dma_start3A_161] : memref<1000001x32xf32, #tpu.memory_space<hbm>> -> memref<1x32xf32, #tpu.memory_space<hbm>>
      %dma_start3A_163 = arith.constant 0 : i32
      %dma_start3A_164 = tpu.memref_slice %arg7[%add3A_158, %dma_start3A_163] : memref<128x32xf32, #tpu.memory_space<vmem>> -> memref<1x32xf32, #tpu.memory_space<vmem>>
      %dma_start3A_165 = arith.constant 0 : i32
      %dma_start3A_166 = tpu.memref_slice %arg3[%squeeze3A_156, %dma_start3A_165] : memref<1000001x32xf32, #tpu.memory_space<hbm>> -> memref<1x32xf32, #tpu.memory_space<hbm>>
      tpu.enqueue_dma source(%dma_start3A_166 : memref<1x32xf32, #tpu.memory_space<hbm>>) target(%dma_start3A_164 : memref<1x32xf32, #tpu.memory_space<vmem>>) target_semaphore(%arg9 : memref<!tpu.dma_semaphore, #tpu.memory_space<semaphore_mem>>)
      %slice3A_167 = vector.extract_strided_slice %get3A_59 {offsets = [9], sizes = [1], strides = [1]} : vector<16xi32> to vector<1xi32>
      %squeeze3A_168 = vector.extract %slice3A_167[0] : i32 from vector<1xi32>
      %add3A_169 = arith.constant 9 : i32
      %add3A_170 = arith.addi %mul3A_61, %add3A_169 : i32
      %dma_start3A_171 = arith.constant 0 : i32
      %dma_start3A_172 = tpu.memref_slice %arg7[%add3A_170, %dma_start3A_171] : memref<128x32xf32, #tpu.memory_space<vmem>> -> memref<1x32xf32, #tpu.memory_space<vmem>>
      %dma_start3A_173 = arith.constant 0 : i32
      %dma_start3A_174 = tpu.memref_slice %arg3[%squeeze3A_168, %dma_start3A_173] : memref<1000001x32xf32, #tpu.memory_space<hbm>> -> memref<1x32xf32, #tpu.memory_space<hbm>>
      %dma_start3A_175 = arith.constant 0 : i32
      %dma_start3A_176 = tpu.memref_slice %arg7[%add3A_170, %dma_start3A_175] : memref<128x32xf32, #tpu.memory_space<vmem>> -> memref<1x32xf32, #tpu.memory_space<vmem>>
      %dma_start3A_177 = arith.constant 0 : i32
      %dma_start3A_178 = tpu.memref_slice %arg3[%squeeze3A_168, %dma_start3A_177] : memref<1000001x32xf32, #tpu.memory_space<hbm>> -> memref<1x32xf32, #tpu.memory_space<hbm>>
      tpu.enqueue_dma source(%dma_start3A_178 : memref<1x32xf32, #tpu.memory_space<hbm>>) target(%dma_start3A_176 : memref<1x32xf32, #tpu.memory_space<vmem>>) target_semaphore(%arg9 : memref<!tpu.dma_semaphore, #tpu.memory_space<semaphore_mem>>)
      %slice3A_179 = vector.extract_strided_slice %get3A_59 {offsets = [10], sizes = [1], strides = [1]} : vector<16xi32> to vector<1xi32>
      %squeeze3A_180 = vector.extract %slice3A_179[0] : i32 from vector<1xi32>
      %add3A_181 = arith.constant 10 : i32
      %add3A_182 = arith.addi %mul3A_61, %add3A_181 : i32
      %dma_start3A_183 = arith.constant 0 : i32
      %dma_start3A_184 = tpu.memref_slice %arg7[%add3A_182, %dma_start3A_183] : memref<128x32xf32, #tpu.memory_space<vmem>> -> memref<1x32xf32, #tpu.memory_space<vmem>>
      %dma_start3A_185 = arith.constant 0 : i32
      %dma_start3A_186 = tpu.memref_slice %arg3[%squeeze3A_180, %dma_start3A_185] : memref<1000001x32xf32, #tpu.memory_space<hbm>> -> memref<1x32xf32, #tpu.memory_space<hbm>>
      %dma_start3A_187 = arith.constant 0 : i32
      %dma_start3A_188 = tpu.memref_slice %arg7[%add3A_182, %dma_start3A_187] : memref<128x32xf32, #tpu.memory_space<vmem>> -> memref<1x32xf32, #tpu.memory_space<vmem>>
      %dma_start3A_189 = arith.constant 0 : i32
      %dma_start3A_190 = tpu.memref_slice %arg3[%squeeze3A_180, %dma_start3A_189] : memref<1000001x32xf32, #tpu.memory_space<hbm>> -> memref<1x32xf32, #tpu.memory_space<hbm>>
      tpu.enqueue_dma source(%dma_start3A_190 : memref<1x32xf32, #tpu.memory_space<hbm>>) target(%dma_start3A_188 : memref<1x32xf32, #tpu.memory_space<vmem>>) target_semaphore(%arg9 : memref<!tpu.dma_semaphore, #tpu.memory_space<semaphore_mem>>)
      %slice3A_191 = vector.extract_strided_slice %get3A_59 {offsets = [11], sizes = [1], strides = [1]} : vector<16xi32> to vector<1xi32>
      %squeeze3A_192 = vector.extract %slice3A_191[0] : i32 from vector<1xi32>
      %add3A_193 = arith.constant 11 : i32
      %add3A_194 = arith.addi %mul3A_61, %add3A_193 : i32
      %dma_start3A_195 = arith.constant 0 : i32
      %dma_start3A_196 = tpu.memref_slice %arg7[%add3A_194, %dma_start3A_195] : memref<128x32xf32, #tpu.memory_space<vmem>> -> memref<1x32xf32, #tpu.memory_space<vmem>>
      %dma_start3A_197 = arith.constant 0 : i32
      %dma_start3A_198 = tpu.memref_slice %arg3[%squeeze3A_192, %dma_start3A_197] : memref<1000001x32xf32, #tpu.memory_space<hbm>> -> memref<1x32xf32, #tpu.memory_space<hbm>>
      %dma_start3A_199 = arith.constant 0 : i32
      %dma_start3A_200 = tpu.memref_slice %arg7[%add3A_194, %dma_start3A_199] : memref<128x32xf32, #tpu.memory_space<vmem>> -> memref<1x32xf32, #tpu.memory_space<vmem>>
      %dma_start3A_201 = arith.constant 0 : i32
      %dma_start3A_202 = tpu.memref_slice %arg3[%squeeze3A_192, %dma_start3A_201] : memref<1000001x32xf32, #tpu.memory_space<hbm>> -> memref<1x32xf32, #tpu.memory_space<hbm>>
      tpu.enqueue_dma source(%dma_start3A_202 : memref<1x32xf32, #tpu.memory_space<hbm>>) target(%dma_start3A_200 : memref<1x32xf32, #tpu.memory_space<vmem>>) target_semaphore(%arg9 : memref<!tpu.dma_semaphore, #tpu.memory_space<semaphore_mem>>)
      %slice3A_203 = vector.extract_strided_slice %get3A_59 {offsets = [12], sizes = [1], strides = [1]} : vector<16xi32> to vector<1xi32>
      %squeeze3A_204 = vector.extract %slice3A_203[0] : i32 from vector<1xi32>
      %add3A_205 = arith.constant 12 : i32
      %add3A_206 = arith.addi %mul3A_61, %add3A_205 : i32
      %dma_start3A_207 = arith.constant 0 : i32
      %dma_start3A_208 = tpu.memref_slice %arg7[%add3A_206, %dma_start3A_207] : memref<128x32xf32, #tpu.memory_space<vmem>> -> memref<1x32xf32, #tpu.memory_space<vmem>>
      %dma_start3A_209 = arith.constant 0 : i32
      %dma_start3A_210 = tpu.memref_slice %arg3[%squeeze3A_204, %dma_start3A_209] : memref<1000001x32xf32, #tpu.memory_space<hbm>> -> memref<1x32xf32, #tpu.memory_space<hbm>>
      %dma_start3A_211 = arith.constant 0 : i32
      %dma_start3A_212 = tpu.memref_slice %arg7[%add3A_206, %dma_start3A_211] : memref<128x32xf32, #tpu.memory_space<vmem>> -> memref<1x32xf32, #tpu.memory_space<vmem>>
      %dma_start3A_213 = arith.constant 0 : i32
      %dma_start3A_214 = tpu.memref_slice %arg3[%squeeze3A_204, %dma_start3A_213] : memref<1000001x32xf32, #tpu.memory_space<hbm>> -> memref<1x32xf32, #tpu.memory_space<hbm>>
      tpu.enqueue_dma source(%dma_start3A_214 : memref<1x32xf32, #tpu.memory_space<hbm>>) target(%dma_start3A_212 : memref<1x32xf32, #tpu.memory_space<vmem>>) target_semaphore(%arg9 : memref<!tpu.dma_semaphore, #tpu.memory_space<semaphore_mem>>)
      %slice3A_215 = vector.extract_strided_slice %get3A_59 {offsets = [13], sizes = [1], strides = [1]} : vector<16xi32> to vector<1xi32>
      %squeeze3A_216 = vector.extract %slice3A_215[0] : i32 from vector<1xi32>
      %add3A_217 = arith.constant 13 : i32
      %add3A_218 = arith.addi %mul3A_61, %add3A_217 : i32
      %dma_start3A_219 = arith.constant 0 : i32
      %dma_start3A_220 = tpu.memref_slice %arg7[%add3A_218, %dma_start3A_219] : memref<128x32xf32, #tpu.memory_space<vmem>> -> memref<1x32xf32, #tpu.memory_space<vmem>>
      %dma_start3A_221 = arith.constant 0 : i32
      %dma_start3A_222 = tpu.memref_slice %arg3[%squeeze3A_216, %dma_start3A_221] : memref<1000001x32xf32, #tpu.memory_space<hbm>> -> memref<1x32xf32, #tpu.memory_space<hbm>>
      %dma_start3A_223 = arith.constant 0 : i32
      %dma_start3A_224 = tpu.memref_slice %arg7[%add3A_218, %dma_start3A_223] : memref<128x32xf32, #tpu.memory_space<vmem>> -> memref<1x32xf32, #tpu.memory_space<vmem>>
      %dma_start3A_225 = arith.constant 0 : i32
      %dma_start3A_226 = tpu.memref_slice %arg3[%squeeze3A_216, %dma_start3A_225] : memref<1000001x32xf32, #tpu.memory_space<hbm>> -> memref<1x32xf32, #tpu.memory_space<hbm>>
      tpu.enqueue_dma source(%dma_start3A_226 : memref<1x32xf32, #tpu.memory_space<hbm>>) target(%dma_start3A_224 : memref<1x32xf32, #tpu.memory_space<vmem>>) target_semaphore(%arg9 : memref<!tpu.dma_semaphore, #tpu.memory_space<semaphore_mem>>)
      %slice3A_227 = vector.extract_strided_slice %get3A_59 {offsets = [14], sizes = [1], strides = [1]} : vector<16xi32> to vector<1xi32>
      %squeeze3A_228 = vector.extract %slice3A_227[0] : i32 from vector<1xi32>
      %add3A_229 = arith.constant 14 : i32
      %add3A_230 = arith.addi %mul3A_61, %add3A_229 : i32
      %dma_start3A_231 = arith.constant 0 : i32
      %dma_start3A_232 = tpu.memref_slice %arg7[%add3A_230, %dma_start3A_231] : memref<128x32xf32, #tpu.memory_space<vmem>> -> memref<1x32xf32, #tpu.memory_space<vmem>>
      %dma_start3A_233 = arith.constant 0 : i32
      %dma_start3A_234 = tpu.memref_slice %arg3[%squeeze3A_228, %dma_start3A_233] : memref<1000001x32xf32, #tpu.memory_space<hbm>> -> memref<1x32xf32, #tpu.memory_space<hbm>>
      %dma_start3A_235 = arith.constant 0 : i32
      %dma_start3A_236 = tpu.memref_slice %arg7[%add3A_230, %dma_start3A_235] : memref<128x32xf32, #tpu.memory_space<vmem>> -> memref<1x32xf32, #tpu.memory_space<vmem>>
      %dma_start3A_237 = arith.constant 0 : i32
      %dma_start3A_238 = tpu.memref_slice %arg3[%squeeze3A_228, %dma_start3A_237] : memref<1000001x32xf32, #tpu.memory_space<hbm>> -> memref<1x32xf32, #tpu.memory_space<hbm>>
      tpu.enqueue_dma source(%dma_start3A_238 : memref<1x32xf32, #tpu.memory_space<hbm>>) target(%dma_start3A_236 : memref<1x32xf32, #tpu.memory_space<vmem>>) target_semaphore(%arg9 : memref<!tpu.dma_semaphore, #tpu.memory_space<semaphore_mem>>)
      %slice3A_239 = vector.extract_strided_slice %get3A_59 {offsets = [15], sizes = [1], strides = [1]} : vector<16xi32> to vector<1xi32>
      %squeeze3A_240 = vector.extract %slice3A_239[0] : i32 from vector<1xi32>
      %add3A_241 = arith.constant 15 : i32
      %add3A_242 = arith.addi %mul3A_61, %add3A_241 : i32
      %dma_start3A_243 = arith.constant 0 : i32
      %dma_start3A_244 = tpu.memref_slice %arg7[%add3A_242, %dma_start3A_243] : memref<128x32xf32, #tpu.memory_space<vmem>> -> memref<1x32xf32, #tpu.memory_space<vmem>>
      %dma_start3A_245 = arith.constant 0 : i32
      %dma_start3A_246 = tpu.memref_slice %arg3[%squeeze3A_240, %dma_start3A_245] : memref<1000001x32xf32, #tpu.memory_space<hbm>> -> memref<1x32xf32, #tpu.memory_space<hbm>>
      %dma_start3A_247 = arith.constant 0 : i32
      %dma_start3A_248 = tpu.memref_slice %arg7[%add3A_242, %dma_start3A_247] : memref<128x32xf32, #tpu.memory_space<vmem>> -> memref<1x32xf32, #tpu.memory_space<vmem>>
      %dma_start3A_249 = arith.constant 0 : i32
      %dma_start3A_250 = tpu.memref_slice %arg3[%squeeze3A_240, %dma_start3A_249] : memref<1000001x32xf32, #tpu.memory_space<hbm>> -> memref<1x32xf32, #tpu.memory_space<hbm>>
      tpu.enqueue_dma source(%dma_start3A_250 : memref<1x32xf32, #tpu.memory_space<hbm>>) target(%dma_start3A_248 : memref<1x32xf32, #tpu.memory_space<vmem>>) target_semaphore(%arg9 : memref<!tpu.dma_semaphore, #tpu.memory_space<semaphore_mem>>)
    }
    %scan3A_36 = arith.constant 8 : i32
    %dma_wait3A_37 = arith.constant 0 : i32
    %dma_wait3A_38 = arith.constant 0 : i32
    %dma_wait3A_39 = tpu.memref_slice %arg3[%dma_wait3A_37, %dma_wait3A_38] : memref<1000001x32xf32, #tpu.memory_space<hbm>> -> memref<128x32xf32, #tpu.memory_space<hbm>>
    %dma_wait3A_40 = arith.constant 0 : i32
    %dma_wait3A_41 = arith.constant 0 : i32
    %dma_wait3A_42 = tpu.memref_slice %arg3[%dma_wait3A_40, %dma_wait3A_41] : memref<1000001x32xf32, #tpu.memory_space<hbm>> -> memref<128x32xf32, #tpu.memory_space<hbm>>
    tpu.wait_dma2 semaphore(%arg8 : memref<!tpu.dma_semaphore, #tpu.memory_space<semaphore_mem>>) src(%dma_wait3A_42 : memref<128x32xf32, #tpu.memory_space<hbm>>) dst(%arg6 : memref<128x32xf32, #tpu.memory_space<vmem>>)
    %add3A_43 = arith.constant 256 : i32
    %add3A_44 = arith.addi %mul3A_2, %add3A_43 : i32
    "tpu.region"() ({
      %run_scoped3A = tpu.sem_alloc : memref<!tpu.dma_semaphore, #tpu.memory_space<semaphore_mem>>
      %dma_start3A = arith.constant 0 : i32
      %dma_start3A_53 = tpu.memref_slice %arg4[%add3A_44, %dma_start3A] : memref<16384x32xf32, #tpu.memory_space<hbm>> -> memref<128x32xf32, #tpu.memory_space<hbm>>
      %dma_start3A_54 = arith.constant 0 : i32
      %dma_start3A_55 = tpu.memref_slice %arg4[%add3A_44, %dma_start3A_54] : memref<16384x32xf32, #tpu.memory_space<hbm>> -> memref<128x32xf32, #tpu.memory_space<hbm>>
      tpu.enqueue_dma source(%arg6 : memref<128x32xf32, #tpu.memory_space<vmem>>) target(%dma_start3A_55 : memref<128x32xf32, #tpu.memory_space<hbm>>) target_semaphore(%run_scoped3A : memref<!tpu.dma_semaphore, #tpu.memory_space<semaphore_mem>>)
      %dma_wait3A_56 = arith.constant 0 : i32
      %dma_wait3A_57 = tpu.memref_slice %arg4[%add3A_44, %dma_wait3A_56] : memref<16384x32xf32, #tpu.memory_space<hbm>> -> memref<128x32xf32, #tpu.memory_space<hbm>>
      %dma_wait3A_58 = arith.constant 0 : i32
      %dma_wait3A_59 = tpu.memref_slice %arg4[%add3A_44, %dma_wait3A_58] : memref<16384x32xf32, #tpu.memory_space<hbm>> -> memref<128x32xf32, #tpu.memory_space<hbm>>
      tpu.wait_dma2 semaphore(%run_scoped3A : memref<!tpu.dma_semaphore, #tpu.memory_space<semaphore_mem>>) src(%arg6 : memref<128x32xf32, #tpu.memory_space<vmem>>) dst(%dma_wait3A_59 : memref<128x32xf32, #tpu.memory_space<hbm>>)
      tpu.yield
    }) : () -> ()
    %dma_wait3A_45 = arith.constant 0 : i32
    %dma_wait3A_46 = arith.constant 0 : i32
    %dma_wait3A_47 = tpu.memref_slice %arg3[%dma_wait3A_45, %dma_wait3A_46] : memref<1000001x32xf32, #tpu.memory_space<hbm>> -> memref<128x32xf32, #tpu.memory_space<hbm>>
    %dma_wait3A_48 = arith.constant 0 : i32
    %dma_wait3A_49 = arith.constant 0 : i32
    %dma_wait3A_50 = tpu.memref_slice %arg3[%dma_wait3A_48, %dma_wait3A_49] : memref<1000001x32xf32, #tpu.memory_space<hbm>> -> memref<128x32xf32, #tpu.memory_space<hbm>>
    tpu.wait_dma2 semaphore(%arg9 : memref<!tpu.dma_semaphore, #tpu.memory_space<semaphore_mem>>) src(%dma_wait3A_50 : memref<128x32xf32, #tpu.memory_space<hbm>>) dst(%arg7 : memref<128x32xf32, #tpu.memory_space<vmem>>)
    %add3A_51 = arith.constant 384 : i32
    %add3A_52 = arith.addi %mul3A_2, %add3A_51 : i32
    "tpu.region"() ({
      %run_scoped3A = tpu.sem_alloc : memref<!tpu.dma_semaphore, #tpu.memory_space<semaphore_mem>>
      %dma_start3A = arith.constant 0 : i32
      %dma_start3A_53 = tpu.memref_slice %arg4[%add3A_52, %dma_start3A] : memref<16384x32xf32, #tpu.memory_space<hbm>> -> memref<128x32xf32, #tpu.memory_space<hbm>>
      %dma_start3A_54 = arith.constant 0 : i32
      %dma_start3A_55 = tpu.memref_slice %arg4[%add3A_52, %dma_start3A_54] : memref<16384x32xf32, #tpu.memory_space<hbm>> -> memref<128x32xf32, #tpu.memory_space<hbm>>
      tpu.enqueue_dma source(%arg7 : memref<128x32xf32, #tpu.memory_space<vmem>>) target(%dma_start3A_55 : memref<128x32xf32, #tpu.memory_space<hbm>>) target_semaphore(%run_scoped3A : memref<!tpu.dma_semaphore, #tpu.memory_space<semaphore_mem>>)
      %dma_wait3A_56 = arith.constant 0 : i32
      %dma_wait3A_57 = tpu.memref_slice %arg4[%add3A_52, %dma_wait3A_56] : memref<16384x32xf32, #tpu.memory_space<hbm>> -> memref<128x32xf32, #tpu.memory_space<hbm>>
      %dma_wait3A_58 = arith.constant 0 : i32
      %dma_wait3A_59 = tpu.memref_slice %arg4[%add3A_52, %dma_wait3A_58] : memref<16384x32xf32, #tpu.memory_space<hbm>> -> memref<128x32xf32, #tpu.memory_space<hbm>>
      tpu.wait_dma2 semaphore(%run_scoped3A : memref<!tpu.dma_semaphore, #tpu.memory_space<semaphore_mem>>) src(%arg7 : memref<128x32xf32, #tpu.memory_space<vmem>>) dst(%dma_wait3A_59 : memref<128x32xf32, #tpu.memory_space<hbm>>)
      tpu.yield
    }) : () -> ()
    return
  }
}

#map = affine_map<(d0, d1) -> (0)>
#map1 = affine_map<(d0, d1) -> (0, 0)>
module attributes {stable_mosaic.version = 14 : i64} {
  func.func @_gather_dense_body(%arg0: i32, %arg1: i32, %arg2: memref<16384xi32, #tpu.memory_space<hbm>>, %arg3: memref<1000001x32xf32, #tpu.memory_space<hbm>>, %arg4: memref<16384x32xf32, #tpu.memory_space<hbm>>, %arg5: memref<512xi32, #tpu.memory_space<vmem>>, %arg6: memref<512x32xf32, #tpu.memory_space<vmem>>, %arg7: memref<!tpu.dma_semaphore, #tpu.memory_space<semaphore_mem>>) attributes {dimension_semantics = [#tpu.dimension_semantics<core_parallel>, #tpu.dimension_semantics<subcore_parallel>], iteration_bounds = array<i64: 2, 16>, scalar_prefetch = 0 : i64, scratch_operands = 3 : i64, tpu.core_type = #tpu.core_type<sc_vector_subcore>, window_params = [{transform_indices = #map}, {transform_indices = #map1}, {transform_indices = #map1}]} {
    %mul3A = arith.constant 2 : i32
    %mul3A_0 = arith.muli %arg1, %mul3A : i32
    %add3A = arith.addi %mul3A_0, %arg0 : i32
    %mul3A_1 = arith.constant 512 : i32
    %mul3A_2 = arith.muli %add3A, %mul3A_1 : i32
    "tpu.region"() ({
      %run_scoped3A = tpu.sem_alloc : memref<!tpu.dma_semaphore, #tpu.memory_space<semaphore_mem>>
      %dma_start3A_7 = tpu.memref_slice %arg2[%mul3A_2] : memref<16384xi32, #tpu.memory_space<hbm>> -> memref<512xi32, #tpu.memory_space<hbm>>
      %dma_start3A_8 = tpu.memref_slice %arg2[%mul3A_2] : memref<16384xi32, #tpu.memory_space<hbm>> -> memref<512xi32, #tpu.memory_space<hbm>>
      tpu.enqueue_dma source(%dma_start3A_8 : memref<512xi32, #tpu.memory_space<hbm>>) target(%arg5 : memref<512xi32, #tpu.memory_space<vmem>>) target_semaphore(%run_scoped3A : memref<!tpu.dma_semaphore, #tpu.memory_space<semaphore_mem>>)
      %dma_wait3A_9 = tpu.memref_slice %arg2[%mul3A_2] : memref<16384xi32, #tpu.memory_space<hbm>> -> memref<512xi32, #tpu.memory_space<hbm>>
      %dma_wait3A_10 = tpu.memref_slice %arg2[%mul3A_2] : memref<16384xi32, #tpu.memory_space<hbm>> -> memref<512xi32, #tpu.memory_space<hbm>>
      tpu.wait_dma2 semaphore(%run_scoped3A : memref<!tpu.dma_semaphore, #tpu.memory_space<semaphore_mem>>) src(%dma_wait3A_10 : memref<512xi32, #tpu.memory_space<hbm>>) dst(%arg5 : memref<512xi32, #tpu.memory_space<vmem>>)
      tpu.yield
    }) : () -> ()
    %dma_start3A = arith.constant 0 : i32
    %dma_start3A_3 = arith.constant 0 : i32
    %dma_start3A_4 = tpu.memref_slice %arg3[%dma_start3A, %dma_start3A_3] : memref<1000001x32xf32, #tpu.memory_space<hbm>> -> memref<1000001x32xf32, #tpu.memory_space<hbm>>
    tpu.enqueue_indirect_dma source(%dma_start3A_4 : memref<1000001x32xf32, #tpu.memory_space<hbm>>) target(%arg6 : memref<512x32xf32, #tpu.memory_space<vmem>>) offsets(%arg5 : memref<512xi32, #tpu.memory_space<vmem>>) semaphore(%arg7 : memref<!tpu.dma_semaphore, #tpu.memory_space<semaphore_mem>>)
    %dma_wait3A = arith.constant 0 : i32
    %dma_wait3A_5 = arith.constant 0 : i32
    %dma_wait3A_6 = tpu.memref_slice %arg3[%dma_wait3A, %dma_wait3A_5] : memref<1000001x32xf32, #tpu.memory_space<hbm>> -> memref<1000001x32xf32, #tpu.memory_space<hbm>>
    tpu.wait_indirect_dma semaphore(%arg7 : memref<!tpu.dma_semaphore, #tpu.memory_space<semaphore_mem>>) src(%dma_wait3A_6 : memref<1000001x32xf32, #tpu.memory_space<hbm>>) dst(%arg6 : memref<512x32xf32, #tpu.memory_space<vmem>>)
    "tpu.region"() ({
      %run_scoped3A = tpu.sem_alloc : memref<!tpu.dma_semaphore, #tpu.memory_space<semaphore_mem>>
      %dma_start3A_7 = arith.constant 0 : i32
      %dma_start3A_8 = tpu.memref_slice %arg4[%mul3A_2, %dma_start3A_7] : memref<16384x32xf32, #tpu.memory_space<hbm>> -> memref<512x32xf32, #tpu.memory_space<hbm>>
      %dma_start3A_9 = arith.constant 0 : i32
      %dma_start3A_10 = tpu.memref_slice %arg4[%mul3A_2, %dma_start3A_9] : memref<16384x32xf32, #tpu.memory_space<hbm>> -> memref<512x32xf32, #tpu.memory_space<hbm>>
      tpu.enqueue_dma source(%arg6 : memref<512x32xf32, #tpu.memory_space<vmem>>) target(%dma_start3A_10 : memref<512x32xf32, #tpu.memory_space<hbm>>) target_semaphore(%run_scoped3A : memref<!tpu.dma_semaphore, #tpu.memory_space<semaphore_mem>>)
      %dma_wait3A_11 = arith.constant 0 : i32
      %dma_wait3A_12 = tpu.memref_slice %arg4[%mul3A_2, %dma_wait3A_11] : memref<16384x32xf32, #tpu.memory_space<hbm>> -> memref<512x32xf32, #tpu.memory_space<hbm>>
      %dma_wait3A_13 = arith.constant 0 : i32
      %dma_wait3A_14 = tpu.memref_slice %arg4[%mul3A_2, %dma_wait3A_13] : memref<16384x32xf32, #tpu.memory_space<hbm>> -> memref<512x32xf32, #tpu.memory_space<hbm>>
      tpu.wait_dma2 semaphore(%run_scoped3A : memref<!tpu.dma_semaphore, #tpu.memory_space<semaphore_mem>>) src(%arg6 : memref<512x32xf32, #tpu.memory_space<vmem>>) dst(%dma_wait3A_14 : memref<512x32xf32, #tpu.memory_space<hbm>>)
      tpu.yield
    }) : () -> ()
    return
  }
}

module attributes {stable_mosaic.version = 14 : i64} {
  func.func @_mlp_body(%arg0: memref<16384x32xf32, #tpu.memory_space<vmem>>, %arg1: memref<16384x32xf32, #tpu.memory_space<vmem>>, %arg2: memref<32x32xf32, #tpu.memory_space<vmem>>, %arg3: memref<32x32xf32, #tpu.memory_space<vmem>>, %arg4: memref<1x32xf32, #tpu.memory_space<vmem>>, %arg5: memref<32x8xf32, #tpu.memory_space<vmem>>, %arg6: memref<1x8xf32, #tpu.memory_space<vmem>>, %arg7: memref<1x8xf32, #tpu.memory_space<vmem>>, %arg8: memref<1x1xf32, #tpu.memory_space<vmem>>, %arg9: memref<16384x1xf32, #tpu.memory_space<vmem>>) attributes {dimension_semantics = [], scalar_prefetch = 0 : i64, scratch_operands = 0 : i64, tpu.core_type = #tpu.core_type<tc>} {
    %get3A = arith.constant 0 : index
    %get3A_0 = arith.constant 0 : index
    %get3A_1 = vector.load %arg0[%get3A, %get3A_0] : memref<16384x32xf32, #tpu.memory_space<vmem>>, vector<16384x32xf32>
    %get3A_2 = arith.constant 0 : index
    %get3A_3 = arith.constant 0 : index
    %get3A_4 = vector.load %arg1[%get3A_2, %get3A_3] : memref<16384x32xf32, #tpu.memory_space<vmem>>, vector<16384x32xf32>
    %get3A_5 = arith.constant 0 : index
    %get3A_6 = arith.constant 0 : index
    %get3A_7 = vector.load %arg2[%get3A_5, %get3A_6] : memref<32x32xf32, #tpu.memory_space<vmem>>, vector<32x32xf32>
    %dot_general3A = arith.constant dense<0.000000e+00> : vector<16384x32xf32>
    %dot_general3A_8 = tpu.matmul %get3A_1, %get3A_7, %dot_general3A {dimension_numbers = #tpu.dot_dimension_numbers<[1], [0], [0], [1], [0, 0, 1, 1], [], []>, transpose_lhs_hint = false} : vector<16384x32xf32>, vector<32x32xf32>, vector<16384x32xf32> -> vector<16384x32xf32>
    %get3A_9 = arith.constant 0 : index
    %get3A_10 = arith.constant 0 : index
    %get3A_11 = vector.load %arg3[%get3A_9, %get3A_10] : memref<32x32xf32, #tpu.memory_space<vmem>>, vector<32x32xf32>
    %dot_general3A_12 = arith.constant dense<0.000000e+00> : vector<16384x32xf32>
    %dot_general3A_13 = tpu.matmul %get3A_4, %get3A_11, %dot_general3A_12 {dimension_numbers = #tpu.dot_dimension_numbers<[1], [0], [0], [1], [0, 0, 1, 1], [], []>, transpose_lhs_hint = false} : vector<16384x32xf32>, vector<32x32xf32>, vector<16384x32xf32> -> vector<16384x32xf32>
    %add3A = arith.addf %dot_general3A_8, %dot_general3A_13 : vector<16384x32xf32>
    %get3A_14 = arith.constant 0 : index
    %get3A_15 = arith.constant 0 : index
    %get3A_16 = vector.load %arg4[%get3A_14, %get3A_15] : memref<1x32xf32, #tpu.memory_space<vmem>>, vector<1x32xf32>
    %add3A_17 = vector.broadcast %get3A_16 : vector<1x32xf32> to vector<16384x32xf32>
    %add3A_18 = arith.addf %add3A, %add3A_17 : vector<16384x32xf32>
    %max3A = arith.constant 0.000000e+00 : f32
    %max3A_19 = vector.broadcast %max3A : f32 to vector<16384x32xf32>
    %max3A_20 = arith.maximumf %add3A_18, %max3A_19 : vector<16384x32xf32>
    %get3A_21 = arith.constant 0 : index
    %get3A_22 = arith.constant 0 : index
    %get3A_23 = vector.load %arg5[%get3A_21, %get3A_22] : memref<32x8xf32, #tpu.memory_space<vmem>>, vector<32x8xf32>
    %dot_general3A_24 = arith.constant dense<0.000000e+00> : vector<16384x8xf32>
    %dot_general3A_25 = tpu.matmul %max3A_20, %get3A_23, %dot_general3A_24 {dimension_numbers = #tpu.dot_dimension_numbers<[1], [0], [0], [1], [0, 0, 1, 1], [], []>, transpose_lhs_hint = false} : vector<16384x32xf32>, vector<32x8xf32>, vector<16384x8xf32> -> vector<16384x8xf32>
    %get3A_26 = arith.constant 0 : index
    %get3A_27 = arith.constant 0 : index
    %get3A_28 = vector.load %arg6[%get3A_26, %get3A_27] : memref<1x8xf32, #tpu.memory_space<vmem>>, vector<1x8xf32>
    %add3A_29 = vector.broadcast %get3A_28 : vector<1x8xf32> to vector<16384x8xf32>
    %add3A_30 = arith.addf %dot_general3A_25, %add3A_29 : vector<16384x8xf32>
    %max3A_31 = arith.constant 0.000000e+00 : f32
    %max3A_32 = vector.broadcast %max3A_31 : f32 to vector<16384x8xf32>
    %max3A_33 = arith.maximumf %add3A_30, %max3A_32 : vector<16384x8xf32>
    %get3A_34 = arith.constant 0 : index
    %get3A_35 = arith.constant 0 : index
    %get3A_36 = vector.load %arg7[%get3A_34, %get3A_35] : memref<1x8xf32, #tpu.memory_space<vmem>>, vector<1x8xf32>
    %mul3A = vector.broadcast %get3A_36 : vector<1x8xf32> to vector<16384x8xf32>
    %mul3A_37 = arith.mulf %max3A_33, %mul3A : vector<16384x8xf32>
    %reduce_sum3A = arith.constant dense<0.000000e+00> : vector<16384xf32>
    %reduce_sum3A_38 = vector.multi_reduction <add>, %mul3A_37, %reduce_sum3A [1] : vector<16384x8xf32> to vector<16384xf32>
    %broadcast_in_dim3A = vector.shape_cast %reduce_sum3A_38 : vector<16384xf32> to vector<16384x1xf32>
    %get3A_39 = arith.constant 0 : index
    %get3A_40 = arith.constant 0 : index
    %get3A_41 = vector.load %arg8[%get3A_39, %get3A_40] : memref<1x1xf32, #tpu.memory_space<vmem>>, vector<1x1xf32>
    %add3A_42 = vector.broadcast %get3A_41 : vector<1x1xf32> to vector<16384x1xf32>
    %add3A_43 = arith.addf %broadcast_in_dim3A, %add3A_42 : vector<16384x1xf32>
    %swap3A = arith.constant 0 : index
    %swap3A_44 = arith.constant 0 : index
    %swap3A_45 = vector.load %arg9[%swap3A, %swap3A_44] : memref<16384x1xf32, #tpu.memory_space<vmem>>, vector<16384x1xf32>
    tpu.vector_store %arg9[%swap3A, %swap3A_44], %add3A_43 {strides = array<i32>} : memref<16384x1xf32, #tpu.memory_space<vmem>>, vector<16384x1xf32>,
    return
  }
}

</mosaic_0001>

<sc_bundles>
// kernel: kernel.5.cloned.1.call-start
scs
__scs_entry_jumppad:
0x0: {  	(pc) =	sbr.rel $0x88, $3  }
0x1: {  	(tag) =	ssettag $0x0;
	lr =	simm.s32 $0x1  }
0x2: {  	[smem:$0x3F97] =	sst lr;
	_ =	strace $0xD0000000  }
0x3: {  	_ = 	snop  }
0x4: {  	_ = 	snop  }
0x5: {  	_ = 	snop  }
0x6: {  	_ = 	snop  }
0x7: {  	_ = 	snop  }
__scs_overlays_trampoline_lowered:
0x8: {  	[smem:$0x3FA6] =	sst s0  }
0x9: {  	[smem:$0x3FA7] =	sst s1  }
0xa: {  	[smem:$0x3FA8] =	sst s2  }
0xb: {  	[smem:$0x3FA9] =	sst s3  }
0xc: {  	[smem:$0x3FAA] =	sst s4  }
0xd: {  	[smem:$0x3FAB] =	sst s5  }
0xe: {  	[smem:$0x3FAC] =	sst s6  }
0xf: {  	[smem:$0x3FAD] =	sst s7  }
0x10: {  	[smem:$0x3FAE] =	sst s8  }
0x11: {  	[smem:$0x3FAF] =	sst s9;
	s0 =	simm.s32 @!p0 $0x0  }
0x12: {  	s1 =	sld [smem:$0x3F95];
	s0 =	simm.s32 @p0 $0x1  }
0x13: {  	[smem:$0x3FB0] =	sst s0;
	s0 =	simm.s32 @!p1 $0x0  }
0x14: {  	s2 =	sld [smem:$0x3F94];
	s0 =	simm.s32 @p1 $0x1  }
0x15: {  	[smem:$0x3FB1] =	sst s0;
	s0 =	simm.s32 @!p2 $0x0  }
0x16: {  	s3 =	sld [smem:$0x3FDB];
	s0 =	simm.s32 @p2 $0x1  }
0x17: {  	s4 =	simm.s32 $0x1BF5;
	[smem:$0x3FB3] =	sst s0  }
0x18: {  	s0 =	sld [smem:$0x3F96];
	_ =	swait.ge [sflag:s4], $0x0  }
0x19: {  	s7 =	sld [smem:$0x3F97]  }
0x1a: {  	s8 =	sadd.s32 $0xFFFFE003, lr  }
0x1b: {  	s9 =	sadd.s32 $0xFFFFFEF7, lr;
	s5 =	simm.s32 $0xFFFFFFFF;
	p2 =	slt.u32 s8, $0xFFFFF086  }
0x1c: {  	p1 =	slt.u32 s9, $0xF7A;
	s5 =	simm.s32 @!p2 $0x0  }
0x1d: {  	s5 =	simm.s32 @p1 $0x1;
	p0 =	seq.s32 s7, s2  }
0x1e: {  	s7 =	smul.u32 @!p0 $0xF7A, s2;
	p2 =	seq.s32 @!p0 s5, $0x0  }
0x1f: {  	s9 =	smul.u32 $0xF7A, s1;
	s8 =	simm.s32 @!p0 $0x1BF5;
	p2 =	por !p2, p0  }
0x20: {  	[sflag:s8] =	ssyncset.s32 @!p0 $0xFFFFF086;
	s6 =	sadd.s32 @!p0 s3, s7;
	s7 =	simm.s32 @!p0 $0x108  }
0x21: {  	s3 =	sadd.s32 s3, s9;
	s6 =	sadd.s32 @!p0 $0x88, s6;
	s7 =	simm.s32 @p2 $0x1082  }
0x22: {  	[simem:s7], [sflag:s8] =	dma.local @!p0 [hbm:s6], $0xF7A  }
0x23: {  	s9 =	sor.u32 $0xD0000000, s2;
	s6 =	simm.s32 $0x108;
	_ =	swait.ge @!p0 [sflag:s8], $0x0  }
0x24: {  	s3 =	sadd.s32 $0x88, s3;
	s6 =	simm.s32 @!p1 $0x1082;
	[sflag:s4] =	ssyncset.s32 $0xFFFFF086  }
0x25: {  	[simem:s6], [sflag:s4] =	dma.local [hbm:s3], $0xF7A  }
0x26: {  	[smem:$0x3F97] =	sst s1;
	(tag) =	ssettag s2;
	_ =	strace s9  }
0x27: {  	s1 =	sld [smem:$0x3FA7]  }
0x28: {  	s2 =	sld [smem:$0x3FA8]  }
0x29: {  	s4 =	sld [smem:$0x3FAA]  }
0x2a: {  	p0 =	seq.s32 s5, $0x0;
	s5 =	sld [smem:$0x3FAB]  }
0x2b: {  	s6 =	sld [smem:$0x3FAC]  }
0x2c: {  	s7 =	sld [smem:$0x3FAD]  }
0x2d: {  	s3 =	simm.s32 $0x108;
	s8 =	sld [smem:$0x3FAE]  }
0x2e: {  	s3 =	simm.s32 @!p0 $0x1082;
	s9 =	sld [smem:$0x3FAF]  }
0x2f: {  	lr =	sadd.s32 s0, s3;
	s0 =	sld [smem:$0x3FA6]  }
0x30: {  	s3 =	sld [smem:$0x3FA9]  }
0x31: {  	[smem:$0x3FB2] =	sst s10  }
0x32: {  	s10 =	sld [smem:$0x3FB0];
	_ =	sdelay $0x3  }
0x33: {  	p0 =	seq.s32 s10, $0x1;
	s10 =	sld [smem:$0x3FB2];
	_ =	sdelay $0x3  }
0x34: {  	[smem:$0x3FB2] =	sst s10  }
0x35: {  	s10 =	sld [smem:$0x3FB1];
	_ =	sdelay $0x3  }
0x36: {  	p1 =	seq.s32 s10, $0x1;
	s10 =	sld [smem:$0x3FB2];
	_ =	sdelay $0x3  }
0x37: {  	[smem:$0x3FB2] =	sst s10  }
0x38: {  	s10 =	sld [smem:$0x3FB3]  }
0x39: {  	_ = 	snop;
	(pc) =	sbr.ind lr, $3  }
0x3a: {  	_ = 	snop  }
0x3b: {  	_ = 	snop  }
0x3c: {  	p2 =	seq.s32 s10, $0x1;
	s10 =	sld [smem:$0x3FB2]  }
0x3d: {  	_ =	shalt  }
0x3e: {  	_ =	shalt  }
0x3f: {  	_ =	shalt  }
0x40: {  	_ =	shalt  }
0x41: {  	_ =	shalt  }
0x42: {  	_ =	shalt  }
0x43: {  	_ =	shalt  }
0x44: {  	_ =	shalt  }
0x45: {  	_ =	shalt  }
0x46: {  	_ =	shalt  }
0x47: {  	_ =	shalt  }
0x48: {  	_ =	shalt  }
0x49: {  	_ =	shalt  }
0x4a: {  	_ =	shalt  }
0x4b: {  	_ =	shalt  }
0x4c: {  	_ =	shalt  }
0x4d: {  	_ =	shalt  }
0x4e: {  	_ =	shalt  }
0x4f: {  	_ =	shalt  }
0x50: {  	_ =	shalt  }
0x51: {  	_ =	shalt  }
0x52: {  	_ =	shalt  }
0x53: {  	_ =	shalt  }
0x54: {  	_ =	shalt  }
0x55: {  	_ =	shalt  }
0x56: {  	_ =	shalt  }
0x57: {  	_ =	shalt  }
0x58: {  	_ =	shalt  }
0x59: {  	_ =	shalt  }
0x5a: {  	_ =	shalt  }
0x5b: {  	_ =	shalt  }
0x5c: {  	_ =	shalt  }
0x5d: {  	_ =	shalt  }
0x5e: {  	_ =	shalt  }
0x5f: {  	_ =	shalt  }
0x60: {  	_ =	shalt  }
0x61: {  	_ =	shalt  }
0x62: {  	_ =	shalt  }
0x63: {  	_ =	shalt  }
0x64: {  	_ =	shalt  }
0x65: {  	_ =	shalt  }
0x66: {  	_ =	shalt  }
0x67: {  	_ =	shalt  }
0x68: {  	_ =	shalt  }
0x69: {  	_ =	shalt  }
0x6a: {  	_ =	shalt  }
0x6b: {  	_ =	shalt  }
0x6c: {  	_ =	shalt  }
0x6d: {  	_ =	shalt  }
0x6e: {  	_ =	shalt  }
0x6f: {  	_ =	shalt  }
0x70: {  	_ =	shalt  }
0x71: {  	_ =	shalt  }
0x72: {  	_ =	shalt  }
0x73: {  	_ =	shalt  }
0x74: {  	_ =	shalt  }
0x75: {  	_ =	shalt  }
0x76: {  	_ =	shalt  }
0x77: {  	_ =	shalt  }
0x78: {  	_ =	shalt  }
0x79: {  	_ =	shalt  }
0x7a: {  	_ =	shalt  }
0x7b: {  	_ =	shalt  }
0x7c: {  	_ =	shalt  }
0x7d: {  	_ =	shalt  }
0x7e: {  	_ =	shalt  }
0x7f: {  	_ =	shalt  }
0x80: {  	_ =	shalt  }
0x81: {  	_ =	shalt  }
0x82: {  	_ =	shalt  }
0x83: {  	_ =	shalt  }
0x84: {  	_ =	shalt  }
0x85: {  	_ =	shalt  }
0x86: {  	_ =	shalt  }
0x87: {  	_ =	shalt  }
.Lfunc_end0:
.L_simem_size_0:
called_computation_lowered:
.L_overlay_start_0:
0x88: {  	s2 =	sld [smem:$0x3FD9]  }
0x89: {  	s3 =	sld [smem:$0x3FFE];
	_ =	sdelay $0x1  }
0x8a: {  	s1 =	srdreg.scid  }
0x8b: {  	s0 =	sand.u32 $0x1, s1  }
0x8c: {  	s17 =	sshll.u32 s0, $0xA;
	s2 =	sadd.s32 s3, s2  }
0x8d: {  	s2 =	sadd.s32 s2, s17  }
0x8e: {  	[smem:$0x3FBE] =	sst s2  }
0x8f: {  	_ = 	snop  }
0x90: {  	s2 =	sld [smem:$0x3FC8];
	(tm) =	ssettm $0x1  }
0x91: {  	s18 =	sld [smem:$0x3FFB];
	_ =	sdelay $0x3  }
0x92: {  	_ =	strace s18  }
0x93: {  	s3 =	sld [smem:$0x3FFC];
	_ =	sdelay $0x3  }
0x94: {  	_ =	strace s3  }
0x95: {  	s3 =	sld [smem:$0x3FFD];
	_ =	sdelay $0x3  }
0x96: {  	_ =	strace s3  }
0x97: {  	_ =	strace $0x8FFFFFFF  }
0x98: {  	s19 =	sld [smem:$0x3FDB];
	_ =	sdelay $0x1  }
0x99: {  	s4 =	simm.s32 $_scs_section_size  }
0x9a: {  	s5 =	simm.s32 $_size__tile_overlayer_lowered;
	s6 =	simm.s32 $_tile_overlayer_lowered  }
0x9b: {  	s22 =	simm.s32 $0x1BFF;
	s21 =	sshll.u32 s6, $0x1;
	s3 =	sadd.s32 s4, s19  }
0x9c: {  	s7 =	simm.s32 $0x0;
	s20 =	sshll.u32 s5, $0x1;
	s5 =	sadd.s32 s21, s3  }
0x9d: {  	[timem:s7], [sflag:s22] =	dma.local [hbm:s5], s20  }
0x9e: {  	_ =	swait.ge [sflag:s22], s20  }
0x9f: {  	s4 =	ssub.s32 $0x0, s20;
	[sflag:s22] =	ssyncset.done $0x0  }
0xa0: {  	[sflag:s22] =	ssyncadd.s32 s4;
	_ =	sdelay $0x1  }
0xa1: {  	s23 =	simm.s32 $0x1B8B  }
0xa2: {  	_ =	swait.ge [sflag:s23], $0x1  }
0xa3: {  	[sflag:s23] =	ssyncset.done $0x0  }
0xa4: {  	s25 =	simm.s32 $0x1B8E;
	s24 =	sld [smem:$0x3FFE];
	[sflag:s23] =	ssyncadd.s32 $0xFFFFFFFF  }
0xa5: {  	s26 =	simm.s32 $execute0_lowered;
	[smem:$0x3FD2] =	sst s25  }
0xa6: {  	s5 =	sshll.u32 s26, $0x1;
	_ =	strace $0x80000046;
	[dreg:$0x1] =	wrdreg $0xFFFFFFFF  }
0xa7: {  	s28 =	simm.s32 $_size_execute0_lowered;
	s3 =	sadd.s32 s3, s5;
	[dreg:$0x0] =	wrdreg $0x0  }
0xa8: {  	s5 =	sshll.u32 s28, $0x1;
	[dreg:$0x2] =	wrdreg s3  }
0xa9: {  	[dreg:$0x3] =	wrdreg s5  }
0xaa: {  	[dreg:$0x4] =	wrdreg $0xC0  }
0xab: {  	_ =	task [dreg:s7], $0x5FFFF  }
0xac: {  	[dreg:$0x1] =	wrdreg $0xFFFFFFFF  }
0xad: {  	[dreg:$0x0] =	wrdreg $0x60  }
0xae: {  	[dreg:$0x2] =	wrdreg s2  }
0xaf: {  	[dreg:$0x3] =	wrdreg s24  }
0xb0: {  	[dreg:$0x4] =	wrdreg $0x9  }
0xb1: {  	_ =	task.clear_ibuf [dreg:s7], $0x5FFFF;
	_ =	strace $0x90000046  }
0xb2: {  	s29 =	simm.s32 $0x9;
	_ =	strace $0x80000048  }
0xb3: {  	_ =	swait.ge [sflag:s29], $0x1  }
0xb4: {  	[sflag:s29] =	ssyncadd.s32 $0xFFFFFFFF  }
0xb5: {  	_ =	strace $0x90000048  }
0xb6: {  	_ =	sfence  }
0xb7: {  	s30 =	sld [smem:$0x0];
	_ =	sdelay $0x2  }
0xb8: {  	s31 =	sshll.u32 s1, $0xD;
	s1 =	sshrl.u32 s1, $0x2  }
0xb9: {  	s3 =	sand.u32 $0x4000, s31;
	s1 =	sadd.s32 s1, s30  }
0xba: {  	s0 =	sor.u32 s3, s0;
	s1 =	sshll.u32 s1, $0x11  }
0xbb: {  	s0 =	sor.u32 s1, s0  }
0xbc: {  	s0 =	sadd.s32 $0x8F2B, s0  }
0xbd: {  	[sflag:s0] =	ssyncadd.remote.s32 $0x1  }
0xbe: {  	_ =	sfence.sel $0xFFFF  }
0xbf: {  	[dreg:$0x0] =	wrdreg $0xFFFFFFFF;
	(pc) =	sbr.abs _section_cstart, $3  }
0xc0: {  	[dreg:$0x1] =	wrdreg $0xFFFFFFFF  }
0xc1: {  	_ =	task.clear_ibuf [dreg:s7], $0x2FFFF;
	_ =	strace $0x9FFFFFFF  }
0xc2: {  	(tm) =	ssettm $0x7FFFFFFF  }
0xc3: {  	_ =	shalt  }
tec
execute0_lowered:
.L_overlay_start_1:
0x0: {  	(tag) =	ssettag $0x1  }
0x1: {  	s1 =	srdreg.scid  }
0x2: {  	s3 =	rddreg [dreg:$0x0];
	s0 =	stileid.u32  }
0x3: {  	s8 =	rddreg [dreg:$0x1];
	s2 =	simm.s32 $0x0;
	s6 =	sand.u32 $0x1, s1  }
0x4: {  	s4 =	sshll.u32 s0, $0xA;
	s1 =	rddreg [dreg:$0x2];
	s5 =	sshll.u32 s6, $0x9  }
0x5: {  	s7 =	simm.s32 $0x1;
	[smem:$0x7FF] =	sst s2;
	s9 =	sor.u32 s5, s4  }
0x6: {  	_ =	strace $0x80000047;
	s10 =	ssub.s32 $0x2, s6;
	s4 =	sshrl.u32 s9, $0x3  }
0x7: {  	s6 =	simm.s32 $0x200;
	s4 =	sadd.s32 s3, s4;
	s3 =	simm.s32 $0x2  }
0x8: {  	[tilespmem:s2], [sflag:$0x2] =	stream.linear.gather [hbm4b:s4+s2], $0x200, $0x38;
	[tilespmem:$0x4200] =	vst v63  }
0x9: {  	s5 =	sadd.s32 $0xF43C00, s8;
	s11 =	sshrl.u32 s10, $0x1;
	_ =	swait.ge [sflag:s3], $0x200  }
0xa: {  	s9 =	sshll.u32 s9, $0x2;
	s31 =	ssub.s32 s10, s11;
	[sflag:s3] =	ssyncset.done $0x0  }
0xb: {  	s8 =	sadd.s32 s9, s8;
	s9 =	smax.u32 s31, $0x1;
	[sflag:s3] =	ssyncadd.s32 $0xFFFFFE00  }
0xc: {  	[tilespmem:s6], [sflag:$0x1] =	stream.indirect.gather [hbm4b:s5+s6], $0x20, s2, s6, $0xb8;
	[tilespmem:$0x4200] =	vst v63  }
0xd: {  	p0 =	sne.s32 s9, $0x1;
	_ =	swait.ge [sflag:s7], $0x4000  }
.Ltmp0:
0xe: {  	[sflag:s7] =	ssyncset.done $0x0;
	(pc) =	sbr.rel @!p0 .LBB2_2-.Ltmp0, $4  }
0xf: {  	s8 =	sadd.s32 $0x1600, s8;
	[sflag:s7] =	ssyncadd.s32 $0xFFFFC000  }
0x10: {  	[hbm4b:s8+s2] =	stream.linear.scatter [tilespmem:s6], [sflag:$0x2], $0x4000, $0x38;
	[tilespmem:$0x4200] =	vst v63  }
0x11: {  	_ =	swait.ge [sflag:s3], $0x4000  }
0x12: {  	s9 =	sadd.s32 $0xFFFFFFFF, s9;
	[sflag:s3] =	ssyncset.done $0x0  }
.LBB2_1:
0x13: {  	p0 =	sne.s32 s9, $0x1;
	s9 =	sadd.s32 $0xFFFFFFFF, s9;
	[sflag:s3] =	ssyncadd.s32 $0xFFFFC000  }
0x14: {  	[tilespmem:s2], [sflag:$0x2] =	stream.linear.gather [hbm4b:s4+s2], $0x200, $0x38;
	[tilespmem:$0x4200] =	vst v63  }
0x15: {  	_ =	swait.ge [sflag:s3], $0x200  }
0x16: {  	[sflag:s3] =	ssyncset.done $0x0  }
0x17: {  	[sflag:s3] =	ssyncadd.s32 $0xFFFFFE00  }
0x18: {  	[tilespmem:s6], [sflag:$0x1] =	stream.indirect.gather [hbm4b:s5+s6], $0x20, s2, s6, $0xb8;
	[tilespmem:$0x4200] =	vst v63  }
0x19: {  	_ =	swait.ge [sflag:s7], $0x4000  }
.Ltmp1:
0x1a: {  	[sflag:s7] =	ssyncset.done $0x0;
	(pc) =	sbr.rel @p0 .LBB2_1-.Ltmp1, $4  }
0x1b: {  	[sflag:s7] =	ssyncadd.s32 $0xFFFFC000  }
0x1c: {  	[hbm4b:s8+s2] =	stream.linear.scatter [tilespmem:s6], [sflag:$0x2], $0x4000, $0x38;
	[tilespmem:$0x4200] =	vst v63  }
0x1d: {  	_ =	swait.ge [sflag:s3], $0x4000  }
0x1e: {  	[sflag:s3] =	ssyncset.done $0x0  }
.LBB2_2:
0x1f: {  	[sflag:s3] =	ssyncadd.s32 $0xFFFFC000  }
0x20: {  	_ =	sfence.sel $0x180000  }
0x21: {  	[bflag:$0x0] =	sbarrier.arrive $0xFFFF  }
0x22: {  	p0 =	sne.s32 s0, $0x0;
	_ =	strace $0x90000047  }
0x23: {  	s0 =	sadd.s32 @!p0 $0x100000, s1;
	[bflag:$0x2] =	sbarrier.arrive $0xFFFF  }
0x24: {  	[sflag:s0] =	ssyncadd.tile.s32 @!p0 $0x1;
	_ =	shalt  }
.Lfunc_end2:
_tile_overlayer_lowered:
.L_overlay_start_2:
0x25: {  	(tag) =	ssettag $0x2  }
0x26: {  	s0 =	rddreg [dreg:$0x0];
	s2 =	stileid.u32  }
0x27: {  	s1 =	rddreg [dreg:$0x1];
	p0 =	sne.s32 s2, $0x0  }
0x28: {  	s3 =	rddreg [dreg:$0x2];
	[bflag:$0x3] =	sbarrier.arrive $0xFFFF;
	s2 =	simm.s32 @!p0 $0x1C02  }
0x29: {  	[timem:s3], [sflag:s2] =	dma.local @!p0 [hbm:s0], s1  }
0x2a: {  	s0 =	simm.s32 @!p0 $0x2  }
0x2b: {  	_ =	swait.ge @!p0 [sflag:s0], s1  }
0x2c: {  	s1 =	ssub.s32 @!p0 $0x0, s1;
	[sflag:s0] =	ssyncset.done @!p0 $0x0  }
0x2d: {  	[sflag:s0] =	ssyncadd.s32 @!p0 s1  }
0x2e: {  	[bflag:$0x3] =	sbarrier.arrive $0xFFFF  }
0x2f: {  	_ =	shalt  }

// kernel: kernel.8.cloned.1.call-start
scs
__scs_entry_jumppad:
0x0: {  	(pc) =	sbr.rel $0x88, $3  }
0x1: {  	(tag) =	ssettag $0x0;
	lr =	simm.s32 $0x1  }
0x2: {  	[smem:$0x3F97] =	sst lr;
	_ =	strace $0xD0000000  }
0x3: {  	_ = 	snop  }
0x4: {  	_ = 	snop  }
0x5: {  	_ = 	snop  }
0x6: {  	_ = 	snop  }
0x7: {  	_ = 	snop  }
__scs_overlays_trampoline_lowered:
0x8: {  	[smem:$0x3FA6] =	sst s0  }
0x9: {  	[smem:$0x3FA7] =	sst s1  }
0xa: {  	[smem:$0x3FA8] =	sst s2  }
0xb: {  	[smem:$0x3FA9] =	sst s3  }
0xc: {  	[smem:$0x3FAA] =	sst s4  }
0xd: {  	[smem:$0x3FAB] =	sst s5  }
0xe: {  	[smem:$0x3FAC] =	sst s6  }
0xf: {  	[smem:$0x3FAD] =	sst s7  }
0x10: {  	[smem:$0x3FAE] =	sst s8  }
0x11: {  	[smem:$0x3FAF] =	sst s9;
	s0 =	simm.s32 @!p0 $0x0  }
0x12: {  	s1 =	sld [smem:$0x3F95];
	s0 =	simm.s32 @p0 $0x1  }
0x13: {  	[smem:$0x3FB0] =	sst s0;
	s0 =	simm.s32 @!p1 $0x0  }
0x14: {  	s2 =	sld [smem:$0x3F94];
	s0 =	simm.s32 @p1 $0x1  }
0x15: {  	[smem:$0x3FB1] =	sst s0;
	s0 =	simm.s32 @!p2 $0x0  }
0x16: {  	s3 =	sld [smem:$0x3FDB];
	s0 =	simm.s32 @p2 $0x1  }
0x17: {  	s4 =	simm.s32 $0x1BF5;
	[smem:$0x3FB3] =	sst s0  }
0x18: {  	s0 =	sld [smem:$0x3F96];
	_ =	swait.ge [sflag:s4], $0x0  }
0x19: {  	s7 =	sld [smem:$0x3F97]  }
0x1a: {  	s8 =	sadd.s32 $0xFFFFE003, lr  }
0x1b: {  	s9 =	sadd.s32 $0xFFFFFEF7, lr;
	s5 =	simm.s32 $0xFFFFFFFF;
	p2 =	slt.u32 s8, $0xFFFFF086  }
0x1c: {  	p1 =	slt.u32 s9, $0xF7A;
	s5 =	simm.s32 @!p2 $0x0  }
0x1d: {  	s5 =	simm.s32 @p1 $0x1;
	p0 =	seq.s32 s7, s2  }
0x1e: {  	s7 =	smul.u32 @!p0 $0xF7A, s2;
	p2 =	seq.s32 @!p0 s5, $0x0  }
0x1f: {  	s9 =	smul.u32 $0xF7A, s1;
	s8 =	simm.s32 @!p0 $0x1BF5;
	p2 =	por !p2, p0  }
0x20: {  	[sflag:s8] =	ssyncset.s32 @!p0 $0xFFFFF086;
	s6 =	sadd.s32 @!p0 s3, s7;
	s7 =	simm.s32 @!p0 $0x108  }
0x21: {  	s3 =	sadd.s32 s3, s9;
	s6 =	sadd.s32 @!p0 $0x88, s6;
	s7 =	simm.s32 @p2 $0x1082  }
0x22: {  	[simem:s7], [sflag:s8] =	dma.local @!p0 [hbm:s6], $0xF7A  }
0x23: {  	s9 =	sor.u32 $0xD0000000, s2;
	s6 =	simm.s32 $0x108;
	_ =	swait.ge @!p0 [sflag:s8], $0x0  }
0x24: {  	s3 =	sadd.s32 $0x88, s3;
	s6 =	simm.s32 @!p1 $0x1082;
	[sflag:s4] =	ssyncset.s32 $0xFFFFF086  }
0x25: {  	[simem:s6], [sflag:s4] =	dma.local [hbm:s3], $0xF7A  }
0x26: {  	[smem:$0x3F97] =	sst s1;
	(tag) =	ssettag s2;
	_ =	strace s9  }
0x27: {  	s1 =	sld [smem:$0x3FA7]  }
0x28: {  	s2 =	sld [smem:$0x3FA8]  }
0x29: {  	s4 =	sld [smem:$0x3FAA]  }
0x2a: {  	p0 =	seq.s32 s5, $0x0;
	s5 =	sld [smem:$0x3FAB]  }
0x2b: {  	s6 =	sld [smem:$0x3FAC]  }
0x2c: {  	s7 =	sld [smem:$0x3FAD]  }
0x2d: {  	s3 =	simm.s32 $0x108;
	s8 =	sld [smem:$0x3FAE]  }
0x2e: {  	s3 =	simm.s32 @!p0 $0x1082;
	s9 =	sld [smem:$0x3FAF]  }
0x2f: {  	lr =	sadd.s32 s0, s3;
	s0 =	sld [smem:$0x3FA6]  }
0x30: {  	s3 =	sld [smem:$0x3FA9]  }
0x31: {  	[smem:$0x3FB2] =	sst s10  }
0x32: {  	s10 =	sld [smem:$0x3FB0];
	_ =	sdelay $0x3  }
0x33: {  	p0 =	seq.s32 s10, $0x1;
	s10 =	sld [smem:$0x3FB2];
	_ =	sdelay $0x3  }
0x34: {  	[smem:$0x3FB2] =	sst s10  }
0x35: {  	s10 =	sld [smem:$0x3FB1];
	_ =	sdelay $0x3  }
0x36: {  	p1 =	seq.s32 s10, $0x1;
	s10 =	sld [smem:$0x3FB2];
	_ =	sdelay $0x3  }
0x37: {  	[smem:$0x3FB2] =	sst s10  }
0x38: {  	s10 =	sld [smem:$0x3FB3]  }
0x39: {  	_ = 	snop;
	(pc) =	sbr.ind lr, $3  }
0x3a: {  	_ = 	snop  }
0x3b: {  	_ = 	snop  }
0x3c: {  	p2 =	seq.s32 s10, $0x1;
	s10 =	sld [smem:$0x3FB2]  }
0x3d: {  	_ =	shalt  }
0x3e: {  	_ =	shalt  }
0x3f: {  	_ =	shalt  }
0x40: {  	_ =	shalt  }
0x41: {  	_ =	shalt  }
0x42: {  	_ =	shalt  }
0x43: {  	_ =	shalt  }
0x44: {  	_ =	shalt  }
0x45: {  	_ =	shalt  }
0x46: {  	_ =	shalt  }
0x47: {  	_ =	shalt  }
0x48: {  	_ =	shalt  }
0x49: {  	_ =	shalt  }
0x4a: {  	_ =	shalt  }
0x4b: {  	_ =	shalt  }
0x4c: {  	_ =	shalt  }
0x4d: {  	_ =	shalt  }
0x4e: {  	_ =	shalt  }
0x4f: {  	_ =	shalt  }
0x50: {  	_ =	shalt  }
0x51: {  	_ =	shalt  }
0x52: {  	_ =	shalt  }
0x53: {  	_ =	shalt  }
0x54: {  	_ =	shalt  }
0x55: {  	_ =	shalt  }
0x56: {  	_ =	shalt  }
0x57: {  	_ =	shalt  }
0x58: {  	_ =	shalt  }
0x59: {  	_ =	shalt  }
0x5a: {  	_ =	shalt  }
0x5b: {  	_ =	shalt  }
0x5c: {  	_ =	shalt  }
0x5d: {  	_ =	shalt  }
0x5e: {  	_ =	shalt  }
0x5f: {  	_ =	shalt  }
0x60: {  	_ =	shalt  }
0x61: {  	_ =	shalt  }
0x62: {  	_ =	shalt  }
0x63: {  	_ =	shalt  }
0x64: {  	_ =	shalt  }
0x65: {  	_ =	shalt  }
0x66: {  	_ =	shalt  }
0x67: {  	_ =	shalt  }
0x68: {  	_ =	shalt  }
0x69: {  	_ =	shalt  }
0x6a: {  	_ =	shalt  }
0x6b: {  	_ =	shalt  }
0x6c: {  	_ =	shalt  }
0x6d: {  	_ =	shalt  }
0x6e: {  	_ =	shalt  }
0x6f: {  	_ =	shalt  }
0x70: {  	_ =	shalt  }
0x71: {  	_ =	shalt  }
0x72: {  	_ =	shalt  }
0x73: {  	_ =	shalt  }
0x74: {  	_ =	shalt  }
0x75: {  	_ =	shalt  }
0x76: {  	_ =	shalt  }
0x77: {  	_ =	shalt  }
0x78: {  	_ =	shalt  }
0x79: {  	_ =	shalt  }
0x7a: {  	_ =	shalt  }
0x7b: {  	_ =	shalt  }
0x7c: {  	_ =	shalt  }
0x7d: {  	_ =	shalt  }
0x7e: {  	_ =	shalt  }
0x7f: {  	_ =	shalt  }
0x80: {  	_ =	shalt  }
0x81: {  	_ =	shalt  }
0x82: {  	_ =	shalt  }
0x83: {  	_ =	shalt  }
0x84: {  	_ =	shalt  }
0x85: {  	_ =	shalt  }
0x86: {  	_ =	shalt  }
0x87: {  	_ =	shalt  }
.Lfunc_end0:
.L_simem_size_0:
called_computation.1_lowered:
.L_overlay_start_0:
0x88: {  	s2 =	sld [smem:$0x3FD9]  }
0x89: {  	s3 =	sld [smem:$0x3FFE];
	_ =	sdelay $0x1  }
0x8a: {  	s1 =	srdreg.scid  }
0x8b: {  	s0 =	sand.u32 $0x1, s1  }
0x8c: {  	s17 =	sshll.u32 s0, $0xA;
	s2 =	sadd.s32 s3, s2  }
0x8d: {  	s2 =	sadd.s32 s2, s17  }
0x8e: {  	[smem:$0x3FBE] =	sst s2  }
0x8f: {  	_ = 	snop  }
0x90: {  	s18 =	sld [smem:$0x3FC9];
	(tm) =	ssettm $0x1  }
0x91: {  	s19 =	sld [smem:$0x3FFB];
	_ =	sdelay $0x3  }
0x92: {  	_ =	strace s19  }
0x93: {  	s2 =	sld [smem:$0x3FFC];
	_ =	sdelay $0x3  }
0x94: {  	_ =	strace s2  }
0x95: {  	s2 =	sld [smem:$0x3FFD];
	_ =	sdelay $0x3  }
0x96: {  	_ =	strace s2  }
0x97: {  	_ =	strace $0x8FFFFFFF  }
0x98: {  	s20 =	sld [smem:$0x3FDB];
	_ =	sdelay $0x1  }
0x99: {  	s4 =	simm.s32 $_scs_section_size  }
0x9a: {  	s5 =	simm.s32 $_size__tile_overlayer_lowered;
	s6 =	simm.s32 $_tile_overlayer_lowered  }
0x9b: {  	s7 =	simm.s32 $0x1BFF;
	s21 =	sshll.u32 s6, $0x1;
	s4 =	sadd.s32 s4, s20  }
0x9c: {  	s22 =	simm.s32 $0x0;
	s5 =	sshll.u32 s5, $0x1;
	s6 =	sadd.s32 s21, s4  }
0x9d: {  	[timem:s22], [sflag:s7] =	dma.local [hbm:s6], s5  }
0x9e: {  	_ =	swait.ge [sflag:s7], s5  }
0x9f: {  	s5 =	ssub.s32 $0x0, s5;
	[sflag:s7] =	ssyncset.done $0x0  }
0xa0: {  	[sflag:s7] =	ssyncadd.s32 s5;
	_ =	sdelay $0x1  }
0xa1: {  	s23 =	simm.s32 $0x1B8B  }
0xa2: {  	_ =	swait.ge [sflag:s23], $0x1  }
0xa3: {  	[sflag:s23] =	ssyncset.done $0x0  }
0xa4: {  	[sflag:s23] =	ssyncadd.s32 $0xFFFFFFFF  }
0xa5: {  	s5 =	sld [smem:$0x0]  }
0xa6: {  	s6 =	sand.u32 $0xFFFFFFFE, s1  }
0xa7: {  	p0 =	sne.s32 s1, s6  }
0xa8: {  	s6 =	sshll.u32 @p0 s6, $0xE  }
0xa9: {  	s6 =	sadd.s32 @p0 $0x11B8D, s6;
	s7 =	sshll.u32 @p0 s5, $0x11  }
0xaa: {  	s6 =	sor.u32 @p0 s7, s6  }
0xab: {  	[sflag:s6] =	ssyncadd.remote.s32 @p0 $0x1;
	_ =	sdelay $0x1  }
0xac: {  	s6 =	simm.s32 @p0 $0x1B8D  }
0xad: {  	_ =	swait.eq @p0 [sflag:s6], $0x1  }
0xae: {  	[sflag:s6] =	ssyncadd.s32 @p0 $0xFFFFFFFF  }
0xaf: {  	s7 =	sshll.u32 @!p0 s1, $0xE  }
0xb0: {  	s7 =	sor.u32 @!p0 $0x4000, s7;
	s6 =	simm.s32 @!p0 $0x1B8D  }
0xb1: {  	s5 =	sshll.u32 @!p0 s5, $0x11;
	s7 =	sadd.s32 @!p0 $0x11B8D, s7;
	_ =	swait.eq @!p0 [sflag:s6], $0x1  }
0xb2: {  	s5 =	sor.u32 @!p0 s5, s7;
	[sflag:s6] =	ssyncadd.s32 @!p0 $0xFFFFFFFF  }
0xb3: {  	s25 =	simm.s32 $0x1B8E;
	s24 =	sld [smem:$0x3FFE];
	[sflag:s5] =	ssyncadd.remote.s32 @!p0 $0x1  }
0xb4: {  	s26 =	simm.s32 $execute0_lowered;
	[smem:$0x3FD2] =	sst s25  }
0xb5: {  	s6 =	sshll.u32 s26, $0x1;
	_ =	strace $0x80000049;
	[dreg:$0x1] =	wrdreg $0xFFFFFFFF  }
0xb6: {  	s28 =	simm.s32 $_size_execute0_lowered;
	s4 =	sadd.s32 s4, s6;
	[dreg:$0x0] =	wrdreg $0x0  }
0xb7: {  	s6 =	sshll.u32 s28, $0x1;
	[dreg:$0x2] =	wrdreg s4  }
0xb8: {  	[dreg:$0x3] =	wrdreg s6  }
0xb9: {  	[dreg:$0x4] =	wrdreg $0xC0  }
0xba: {  	_ =	task [dreg:s22], $0x5FFFF  }
0xbb: {  	[dreg:$0x1] =	wrdreg $0xFFFFFFFF  }
0xbc: {  	[dreg:$0x0] =	wrdreg $0x60  }
0xbd: {  	[dreg:$0x2] =	wrdreg s18  }
0xbe: {  	[dreg:$0x3] =	wrdreg s24  }
0xbf: {  	[dreg:$0x4] =	wrdreg $0xA  }
0xc0: {  	_ =	task.clear_ibuf [dreg:s22], $0x5FFFF;
	_ =	strace $0x90000049  }
0xc1: {  	s29 =	simm.s32 $0xA;
	_ =	strace $0x8000004B  }
0xc2: {  	_ =	swait.ge [sflag:s29], $0x1  }
0xc3: {  	[sflag:s29] =	ssyncadd.s32 $0xFFFFFFFF  }
0xc4: {  	_ =	strace $0x9000004B  }
0xc5: {  	_ =	sfence  }
0xc6: {  	s30 =	sld [smem:$0x0];
	_ =	sdelay $0x2  }
0xc7: {  	s31 =	sshll.u32 s1, $0xD;
	s1 =	sshrl.u32 s1, $0x2  }
0xc8: {  	s4 =	sand.u32 $0x4000, s31;
	s1 =	sadd.s32 s1, s30  }
0xc9: {  	s0 =	sor.u32 s4, s0;
	s1 =	sshll.u32 s1, $0x11  }
0xca: {  	s0 =	sor.u32 s1, s0  }
0xcb: {  	s0 =	sadd.s32 $0x8F2B, s0  }
0xcc: {  	[sflag:s0] =	ssyncadd.remote.s32 $0x1  }
0xcd: {  	_ =	sfence.sel $0xFFFF  }
0xce: {  	[dreg:$0x0] =	wrdreg $0xFFFFFFFF;
	(pc) =	sbr.abs _section_cstart, $3  }
0xcf: {  	[dreg:$0x1] =	wrdreg $0xFFFFFFFF  }
0xd0: {  	_ =	task.clear_ibuf [dreg:s22], $0x2FFFF;
	_ =	strace $0x9FFFFFFF  }
0xd1: {  	(tm) =	ssettm $0x7FFFFFFF  }
tec
execute0_lowered:
.L_overlay_start_1:
0x0: {  	(tag) =	ssettag $0x1  }
0x1: {  	s4 =	rddreg [dreg:$0x0]  }
0x2: {  	s5 =	rddreg [dreg:$0x1];
	s3 =	srdreg.scid  }
0x3: {  	s2 =	simm.s32 $0x0;
	s0 =	stileid.u32;
	s10 =	simm.s32 $0x3  }
0x4: {  	s11 =	simm.s32 $0x1;
	s13 =	simm.s32 $0x2;
	s15 =	simm.s32 $0x0  }
0x5: {  	s3 =	sand.u32 $0x1, s3;
	[smem:$0x7FF] =	sst s2;
	s6 =	sshll.u32 s0, $0xA  }
0x6: {  	s7 =	sshll.u32 s3, $0x9;
	_ =	strace $0x8000004A;
	s28 =	ssub.s32 $0x2, s3  }
0x7: {  	s3 =	sadd.s32 $0x1314600, s5;
	s6 =	sor.u32 s7, s6;
	s9 =	sshrl.u32 s28, $0x1  }
0x8: {  	s8 =	sshll.u32 s6, $0x4;
	s9 =	ssub.s32 s28, s9;
	s29 =	sshrl.u32 s6, $0x3  }
0x9: {  	s8 =	sadd.s32 s8, s5;
	s30 =	sadd.s32 s4, s29;
	s9 =	smax.u32 s9, $0x1  }
0xa: {  	[dreg:$0x3] =	wrdreg s30;
	s31 =	sadd.s32 $0x11600, s8;
	s6 =	sadd.s32 $0x11E00, s8  }
0xb: {  	s7 =	sadd.s32 $0x12600, s8;
	s8 =	sadd.s32 $0x12E00, s8;
	[dreg:$0x4] =	wrdreg s31  }
.LBB2_1:
0xc: {  	s0 =	rddreg [dreg:$0x3]  }
0xd: {  	[tilespmem:s2], [sflag:$0x3] =	stream.linear.gather [hbm4b:s0+s2], $0x200, $0x38;
	[tilespmem:$0x8200] =	vst v63  }
0xe: {  	_ =	swait.ge [sflag:s10], $0x200  }
0xf: {  	[sflag:s10] =	ssyncset.done $0x0  }
0x10: {  	[sflag:s10] =	ssyncadd.s32 $0xFFFFFE00  }
0x11: {  	v0 =	vld [tilespmem:s2+$0x0];
	_ =	sdelay $0x4  }
0x12: {  	v0 =	vshll.u32 v0, $0x4  }
0x13: {  	(v2sf) =	vpush v0, $0x0  }
0x14: {  	(v2sf) =	vpush v0, $0x1  }
0x15: {  	(v2sf) =	vpush v0, $0x2;
	_ =	sdelay $0x1  }
0x16: {  	(v2sf) =	vpush v0, $0x4;
	_ =	sdelay $0x1  }
0x17: {  	(v2sf) =	vpush v0, $0x3  }
0x18: {  	(v2sf) =	vpush v0, $0x5  }
0x19: {  	s18 =	simm.s32 $0x2000;
	s17 =	simm.s32 $0x0;
	s19 =	simm.s32 $0x0;
	(v2sf) =	vpush v0, $0x6  }
.LBB2_2:
0x1a: {  	p0 =	sne.s32 s18, $0xE000  }
0x1b: {  	s30 =	sadd.s32 $0x280, s17;
	s23 =	sadd.s32 $0x780, s17;
	s20 =	smov.u32 s18  }
0x1c: {  	s18 =	sadd.s32 $0x2000, s18;
	s26 =	sadd.s32 $0x580, s17;
	s21 =	sadd.s32 $0x800, s17;
	(v2sf) =	vpush v0, $0x7  }
0x1d: {  	s29 =	sadd.s32 $0x480, s17;
	s24 =	sadd.s32 $0x600, s17;
	s22 =	sadd.s32 $0x880, s17  }
0x1e: {  	s31 =	sadd.s32 $0x200, s17;
	s0 =	sadd.s32 $0x400, s17;
	(v2sf) =	vpush v0, $0x8  }
0x1f: {  	s16 =	simm.s32 $0x0;
	s1 =	sadd.s32 $0x500, s17;
	s19 =	sadd.s32 $0x10, s19  }
0x20: {  	s12 =	sadd.s32 $0x300, s17;
	s25 =	sadd.s32 $0x700, s17;
	s28 =	spop (v2sf);
	(v2sf) =	vpush v0, $0x9  }
0x21: {  	s14 =	sand.u32 $0x1FFFFFF0, s28;
	s28 =	sadd.s32 $0x680, s17;
	s4 =	spop (v2sf)  }
0x22: {  	s14 =	sadd.s32 s3, s14;
	s4 =	sand.u32 $0x1FFFFFF0, s4;
	s5 =	spop (v2sf);
	(v2sf) =	vpush v0, $0xA  }
0x23: {  	[tilespmem:s31], [sflag:$0x1] =	stream.linear.gather [hbm4b:s14+s16], $0x80, $0x38;
	[tilespmem:$0x8200] =	vst v63  }
0x24: {  	s4 =	sadd.s32 s3, s4;
	s14 =	sadd.s32 $0x380, s17;
	s31 =	spop (v2sf);
	(v2sf) =	vpush v0, $0xB  }
0x25: {  	[tilespmem:s30], [sflag:$0x1] =	stream.linear.gather [hbm4b:s4+s16], $0x80, $0x38;
	[tilespmem:$0x8200] =	vst v63  }
0x26: {  	s4 =	sand.u32 $0x1FFFFFF0, s5;
	s5 =	sand.u32 $0x1FFFFFF0, s31;
	s30 =	spop (v2sf);
	(v2sf) =	vpush v0, $0xC  }
0x27: {  	s4 =	sadd.s32 s3, s4;
	s30 =	sand.u32 $0x1FFFFFF0, s30;
	s31 =	spop (v2sf)  }
0x28: {  	[tilespmem:s12], [sflag:$0x1] =	stream.linear.gather [hbm4b:s4+s16], $0x80, $0x38;
	(v2sf) =	vpush v0, $0xD;
	[tilespmem:$0x8200] =	vst v63  }
0x29: {  	s4 =	sadd.s32 s3, s30;
	s12 =	sand.u32 $0x1FFFFFF0, s31;
	s30 =	spop (v2sf)  }
0x2a: {  	[tilespmem:s14], [sflag:$0x1] =	stream.linear.gather [hbm4b:s4+s16], $0x80, $0x38;
	(v2sf) =	vpush v0, $0xE;
	[tilespmem:$0x8200] =	vst v63  }
0x2b: {  	s4 =	sadd.s32 s3, s5;
	s5 =	sand.u32 $0x1FFFFFF0, s30;
	s14 =	spop (v2sf)  }
0x2c: {  	[tilespmem:s0], [sflag:$0x1] =	stream.linear.gather [hbm4b:s4+s16], $0x80, $0x38;
	(v2sf) =	vpush v0, $0xF;
	[tilespmem:$0x8200] =	vst v63  }
0x2d: {  	s0 =	sadd.s32 s3, s12;
	s4 =	sand.u32 $0x1FFFFFF0, s14;
	s12 =	spop (v2sf)  }
0x2e: {  	[tilespmem:s29], [sflag:$0x1] =	stream.linear.gather [hbm4b:s0+s16], $0x80, $0x38;
	[tilespmem:$0x8200] =	vst v63  }
0x2f: {  	s0 =	sadd.s32 s3, s5;
	s5 =	sand.u32 $0x1FFFFFF0, s12;
	s12 =	spop (v2sf)  }
0x30: {  	[tilespmem:s1], [sflag:$0x1] =	stream.linear.gather [hbm4b:s0+s16], $0x80, $0x38;
	[tilespmem:$0x8200] =	vst v63  }
0x31: {  	s0 =	sadd.s32 s3, s4;
	s1 =	sand.u32 $0x1FFFFFF0, s12;
	s4 =	spop (v2sf)  }
0x32: {  	[tilespmem:s26], [sflag:$0x1] =	stream.linear.gather [hbm4b:s0+s16], $0x80, $0x38;
	[tilespmem:$0x8200] =	vst v63  }
0x33: {  	s0 =	sadd.s32 s3, s5;
	s4 =	sand.u32 $0x1FFFFFF0, s4;
	s5 =	spop (v2sf)  }
0x34: {  	[tilespmem:s24], [sflag:$0x1] =	stream.linear.gather [hbm4b:s0+s16], $0x80, $0x38;
	[tilespmem:$0x8200] =	vst v63  }
0x35: {  	s0 =	sadd.s32 s3, s1;
	s1 =	sand.u32 $0x1FFFFFF0, s5;
	s5 =	spop (v2sf)  }
0x36: {  	[tilespmem:s28], [sflag:$0x1] =	stream.linear.gather [hbm4b:s0+s16], $0x80, $0x38;
	[tilespmem:$0x8200] =	vst v63  }
0x37: {  	s0 =	sadd.s32 s3, s4;
	s4 =	sand.u32 $0x1FFFFFF0, s5;
	s5 =	spop (v2sf)  }
0x38: {  	[tilespmem:s25], [sflag:$0x1] =	stream.linear.gather [hbm4b:s0+s16], $0x80, $0x38;
	[tilespmem:$0x8200] =	vst v63  }
0x39: {  	s0 =	sadd.s32 s3, s1;
	s1 =	sand.u32 $0x1FFFFFF0, s5;
	s5 =	spop (v2sf)  }
0x3a: {  	[tilespmem:s23], [sflag:$0x1] =	stream.linear.gather [hbm4b:s0+s16], $0x80, $0x38;
	[tilespmem:$0x8200] =	vst v63  }
0x3b: {  	s0 =	sadd.s32 s3, s4;
	s4 =	sand.u32 $0x1FFFFFF0, s5;
	s5 =	spop (v2sf)  }
0x3c: {  	[tilespmem:s21], [sflag:$0x1] =	stream.linear.gather [hbm4b:s0+s16], $0x80, $0x38;
	[tilespmem:$0x8200] =	vst v63  }
0x3d: {  	s0 =	sadd.s32 s3, s1;
	s1 =	sand.u32 $0x1FFFFFF0, s5  }
0x3e: {  	[tilespmem:s22], [sflag:$0x1] =	stream.linear.gather [hbm4b:s0+s16], $0x80, $0x38;
	[tilespmem:$0x8200] =	vst v63  }
0x3f: {  	s4 =	sadd.s32 s3, s4;
	s0 =	sadd.s32 $0x900, s17  }
0x40: {  	[tilespmem:s0], [sflag:$0x1] =	stream.linear.gather [hbm4b:s4+s16], $0x80, $0x38;
	[tilespmem:$0x8200] =	vst v63  }
0x41: {  	s1 =	sadd.s32 s3, s1;
	s0 =	sadd.s32 $0x980, s17  }
0x42: {  	[tilespmem:s0], [sflag:$0x1] =	stream.linear.gather [hbm4b:s1+s16], $0x80, $0x38;
	[tilespmem:$0x8200] =	vst v63  }
0x43: {  	v0 =	vld [tilespmem:s19+$0x0];
	_ =	sdelay $0x4  }
0x44: {  	v0 =	vshll.u32 v0, $0x4  }
0x45: {  	(v2sf) =	vpush v0, $0x0  }
0x46: {  	(v2sf) =	vpush v0, $0x1  }
0x47: {  	(v2sf) =	vpush v0, $0x2;
	_ =	sdelay $0x1  }
0x48: {  	(v2sf) =	vpush v0, $0x4  }
.Ltmp0:
0x49: {  	(pc) =	sbr.rel @p0 .LBB2_2-.Ltmp0, $3  }
0x4a: {  	(v2sf) =	vpush v0, $0x3  }
0x4b: {  	(v2sf) =	vpush v0, $0x5;
	_ =	sdelay $0x1  }
0x4c: {  	s17 =	sshra.s32 s20, $0x2;
	(v2sf) =	vpush v0, $0x6  }
0x4d: {  	_ =	sdelay $0x1  }
0x4e: {  	s0 =	sadd.s32 $0x280, s17;
	s20 =	sadd.s32 $0x780, s17  }
0x4f: {  	s1 =	sadd.s32 $0x580, s17;
	s18 =	sadd.s32 $0x800, s17;
	(v2sf) =	vpush v0, $0x7;
	s4 =	sadd.s32 $0x480, s17  }
0x50: {  	s5 =	sadd.s32 $0x600, s17;
	s19 =	sadd.s32 $0x880, s17;
	s12 =	sadd.s32 $0x200, s17  }
0x51: {  	s14 =	sadd.s32 $0x400, s17;
	s21 =	sadd.s32 $0x500, s17;
	(v2sf) =	vpush v0, $0x8;
	s22 =	spop (v2sf)  }
0x52: {  	s23 =	sadd.s32 $0x300, s17;
	s22 =	sand.u32 $0x1FFFFFF0, s22;
	s24 =	spop (v2sf)  }
0x53: {  	(v2sf) =	vpush v0, $0x9;
	s22 =	sadd.s32 s3, s22;
	s24 =	sand.u32 $0x1FFFFFF0, s24;
	s25 =	spop (v2sf)  }
0x54: {  	[tilespmem:s12], [sflag:$0x1] =	stream.linear.gather [hbm4b:s22+s16], $0x80, $0x38;
	[tilespmem:$0x8200] =	vst v63  }
0x55: {  	(v2sf) =	vpush v0, $0xA;
	s26 =	sadd.s32 s3, s24;
	s29 =	sand.u32 $0x1FFFFFF0, s25;
	s28 =	spop (v2sf)  }
0x56: {  	[tilespmem:s0], [sflag:$0x1] =	stream.linear.gather [hbm4b:s26+s16], $0x80, $0x38;
	[tilespmem:$0x8200] =	vst v63  }
0x57: {  	s12 =	sadd.s32 $0x700, s17;
	(v2sf) =	vpush v0, $0xB;
	s22 =	sadd.s32 s3, s29;
	s30 =	spop (v2sf)  }
0x58: {  	s0 =	sadd.s32 $0x680, s17;
	s26 =	sadd.s32 $0x380, s17;
	s25 =	sand.u32 $0x1FFFFFF0, s30  }
0x59: {  	(v2sf) =	vpush v0, $0xC;
	[tilespmem:s23], [sflag:$0x1] =	stream.linear.gather [hbm4b:s22+s16], $0x80, $0x38;
	[tilespmem:$0x8200] =	vst v63  }
0x5a: {  	s31 =	sand.u32 $0x1FFFFFF0, s28;
	s28 =	spop (v2sf);
	s29 =	sadd.s32 s3, s25  }
0x5b: {  	(v2sf) =	vpush v0, $0xD;
	[tilespmem:s26], [sflag:$0x1] =	stream.linear.gather [hbm4b:s29+s16], $0x80, $0x38;
	[tilespmem:$0x8200] =	vst v63  }
0x5c: {  	s22 =	sadd.s32 s3, s31;
	s23 =	sand.u32 $0x1FFFFFF0, s28;
	s30 =	spop (v2sf)  }
0x5d: {  	(v2sf) =	vpush v0, $0xE;
	[tilespmem:s14], [sflag:$0x1] =	stream.linear.gather [hbm4b:s22+s16], $0x80, $0x38;
	[tilespmem:$0x8200] =	vst v63  }
0x5e: {  	s23 =	sadd.s32 s3, s23;
	s31 =	sand.u32 $0x1FFFFFF0, s30;
	s24 =	spop (v2sf)  }
0x5f: {  	(v2sf) =	vpush v0, $0xF;
	[tilespmem:s4], [sflag:$0x1] =	stream.linear.gather [hbm4b:s23+s16], $0x80, $0x38;
	[tilespmem:$0x8200] =	vst v63  }
0x60: {  	s25 =	sand.u32 $0x1FFFFFF0, s24;
	s26 =	spop (v2sf);
	s14 =	sadd.s32 s3, s31  }
0x61: {  	[tilespmem:s21], [sflag:$0x1] =	stream.linear.gather [hbm4b:s14+s16], $0x80, $0x38;
	[tilespmem:$0x8200] =	vst v63  }
0x62: {  	s28 =	sand.u32 $0x1FFFFFF0, s26;
	s4 =	sadd.s32 s3, s25;
	s29 =	spop (v2sf)  }
0x63: {  	[tilespmem:s1], [sflag:$0x1] =	stream.linear.gather [hbm4b:s4+s16], $0x80, $0x38;
	[tilespmem:$0x8200] =	vst v63  }
0x64: {  	s14 =	sadd.s32 s3, s28;
	s30 =	sand.u32 $0x1FFFFFF0, s29;
	s31 =	spop (v2sf)  }
0x65: {  	[tilespmem:s5], [sflag:$0x1] =	stream.linear.gather [hbm4b:s14+s16], $0x80, $0x38;
	[tilespmem:$0x8200] =	vst v63  }
0x66: {  	s4 =	sand.u32 $0x1FFFFFF0, s31;
	s1 =	sadd.s32 s3, s30;
	s14 =	spop (v2sf)  }
0x67: {  	[tilespmem:s0], [sflag:$0x1] =	stream.linear.gather [hbm4b:s1+s16], $0x80, $0x38;
	[tilespmem:$0x8200] =	vst v63  }
0x68: {  	s4 =	sadd.s32 s3, s4;
	s21 =	sand.u32 $0x1FFFFFF0, s14;
	s22 =	spop (v2sf)  }
0x69: {  	[tilespmem:s12], [sflag:$0x1] =	stream.linear.gather [hbm4b:s4+s16], $0x80, $0x38;
	[tilespmem:$0x8200] =	vst v63  }
0x6a: {  	s0 =	sadd.s32 s3, s21;
	s1 =	sand.u32 $0x1FFFFFF0, s22;
	s23 =	spop (v2sf)  }
0x6b: {  	[tilespmem:s20], [sflag:$0x1] =	stream.linear.gather [hbm4b:s0+s16], $0x80, $0x38;
	[tilespmem:$0x8200] =	vst v63  }
0x6c: {  	s24 =	sand.u32 $0x1FFFFFF0, s23;
	s1 =	sadd.s32 s3, s1;
	s25 =	spop (v2sf)  }
0x6d: {  	[tilespmem:s18], [sflag:$0x1] =	stream.linear.gather [hbm4b:s1+s16], $0x80, $0x38;
	[tilespmem:$0x8200] =	vst v63  }
0x6e: {  	s26 =	sand.u32 $0x1FFFFFF0, s25;
	s28 =	spop (v2sf);
	s0 =	sadd.s32 s3, s24  }
0x6f: {  	[tilespmem:s19], [sflag:$0x1] =	stream.linear.gather [hbm4b:s0+s16], $0x80, $0x38;
	[tilespmem:$0x8200] =	vst v63  }
0x70: {  	s30 =	sadd.s32 $0x900, s17;
	s29 =	sand.u32 $0x1FFFFFF0, s28;
	s1 =	sadd.s32 s3, s26  }
0x71: {  	[tilespmem:s30], [sflag:$0x1] =	stream.linear.gather [hbm4b:s1+s16], $0x80, $0x38;
	[tilespmem:$0x8200] =	vst v63  }
0x72: {  	s31 =	sadd.s32 $0x980, s17;
	s17 =	simm.s32 $0x80;
	s0 =	sadd.s32 s3, s29  }
0x73: {  	[tilespmem:s31], [sflag:$0x1] =	stream.linear.gather [hbm4b:s0+s16], $0x80, $0x38;
	[tilespmem:$0x8200] =	vst v63  }
0x74: {  	v0 =	vld [tilespmem:s17+$0x0];
	_ =	sdelay $0x4  }
0x75: {  	v0 =	vshll.u32 v0, $0x4  }
0x76: {  	(v2sf) =	vpush v0, $0x0  }
0x77: {  	(v2sf) =	vpush v0, $0x1  }
0x78: {  	(v2sf) =	vpush v0, $0x2;
	_ =	sdelay $0x1  }
0x79: {  	(v2sf) =	vpush v0, $0x4;
	_ =	sdelay $0x1  }
0x7a: {  	(v2sf) =	vpush v0, $0x3  }
0x7b: {  	(v2sf) =	vpush v0, $0x5  }
0x7c: {  	s18 =	simm.s32 $0x2000;
	s16 =	simm.s32 $0x0;
	(v2sf) =	vpush v0, $0x6  }
.LBB2_4:
0x7d: {  	p0 =	sne.s32 s18, $0xE000  }
0x7e: {  	s0 =	sadd.s32 $0x4280, s16;
	s22 =	sadd.s32 $0x4780, s16;
	s19 =	smov.u32 s18  }
0x7f: {  	s18 =	sadd.s32 $0x2000, s18;
	s25 =	sadd.s32 $0x4580, s16;
	s20 =	sadd.s32 $0x4800, s16;
	(v2sf) =	vpush v0, $0x7  }
0x80: {  	s28 =	sadd.s32 $0x4480, s16;
	s24 =	sadd.s32 $0x4600, s16;
	s21 =	sadd.s32 $0x4880, s16  }
0x81: {  	s1 =	sadd.s32 $0x4200, s16;
	s4 =	sadd.s32 $0x4400, s16;
	(v2sf) =	vpush v0, $0x8  }
0x82: {  	s5 =	sadd.s32 $0x4500, s16;
	s17 =	sadd.s32 $0x10, s17  }
0x83: {  	s12 =	sadd.s32 $0x4300, s16;
	s23 =	sadd.s32 $0x4700, s16;
	s14 =	spop (v2sf);
	(v2sf) =	vpush v0, $0x9  }
0x84: {  	s26 =	sadd.s32 $0x4680, s16;
	s14 =	sand.u32 $0x1FFFFFF0, s14;
	s29 =	spop (v2sf)  }
0x85: {  	s14 =	sadd.s32 s3, s14;
	s29 =	sand.u32 $0x1FFFFFF0, s29;
	s30 =	spop (v2sf);
	(v2sf) =	vpush v0, $0xA  }
0x86: {  	[tilespmem:s1], [sflag:$0x2] =	stream.linear.gather [hbm4b:s14+s2], $0x80, $0x38;
	[tilespmem:$0x8200] =	vst v63  }
0x87: {  	s1 =	sadd.s32 s3, s29;
	s14 =	sadd.s32 $0x4380, s16;
	s29 =	spop (v2sf);
	(v2sf) =	vpush v0, $0xB  }
0x88: {  	[tilespmem:s0], [sflag:$0x2] =	stream.linear.gather [hbm4b:s1+s2], $0x80, $0x38;
	[tilespmem:$0x8200] =	vst v63  }
0x89: {  	s0 =	sand.u32 $0x1FFFFFF0, s30;
	s1 =	sand.u32 $0x1FFFFFF0, s29;
	s29 =	spop (v2sf);
	(v2sf) =	vpush v0, $0xC  }
0x8a: {  	s0 =	sadd.s32 s3, s0;
	s29 =	sand.u32 $0x1FFFFFF0, s29;
	s30 =	spop (v2sf)  }
0x8b: {  	[tilespmem:s12], [sflag:$0x2] =	stream.linear.gather [hbm4b:s0+s2], $0x80, $0x38;
	(v2sf) =	vpush v0, $0xD;
	[tilespmem:$0x8200] =	vst v63  }
0x8c: {  	s0 =	sadd.s32 s3, s29;
	s12 =	sand.u32 $0x1FFFFFF0, s30;
	s29 =	spop (v2sf)  }
0x8d: {  	[tilespmem:s14], [sflag:$0x2] =	stream.linear.gather [hbm4b:s0+s2], $0x80, $0x38;
	(v2sf) =	vpush v0, $0xE;
	[tilespmem:$0x8200] =	vst v63  }
0x8e: {  	s0 =	sadd.s32 s3, s1;
	s1 =	sand.u32 $0x1FFFFFF0, s29;
	s14 =	spop (v2sf)  }
0x8f: {  	[tilespmem:s4], [sflag:$0x2] =	stream.linear.gather [hbm4b:s0+s2], $0x80, $0x38;
	(v2sf) =	vpush v0, $0xF;
	[tilespmem:$0x8200] =	vst v63  }
0x90: {  	s0 =	sadd.s32 s3, s12;
	s4 =	sand.u32 $0x1FFFFFF0, s14;
	s12 =	spop (v2sf)  }
0x91: {  	[tilespmem:s28], [sflag:$0x2] =	stream.linear.gather [hbm4b:s0+s2], $0x80, $0x38;
	[tilespmem:$0x8200] =	vst v63  }
0x92: {  	s0 =	sadd.s32 s3, s1;
	s1 =	sand.u32 $0x1FFFFFF0, s12;
	s12 =	spop (v2sf)  }
0x93: {  	[tilespmem:s5], [sflag:$0x2] =	stream.linear.gather [hbm4b:s0+s2], $0x80, $0x38;
	[tilespmem:$0x8200] =	vst v63  }
0x94: {  	s0 =	sadd.s32 s3, s4;
	s4 =	sand.u32 $0x1FFFFFF0, s12;
	s5 =	spop (v2sf)  }
0x95: {  	[tilespmem:s25], [sflag:$0x2] =	stream.linear.gather [hbm4b:s0+s2], $0x80, $0x38;
	[tilespmem:$0x8200] =	vst v63  }
0x96: {  	s0 =	sadd.s32 s3, s1;
	s1 =	sand.u32 $0x1FFFFFF0, s5;
	s5 =	spop (v2sf)  }
0x97: {  	[tilespmem:s24], [sflag:$0x2] =	stream.linear.gather [hbm4b:s0+s2], $0x80, $0x38;
	[tilespmem:$0x8200] =	vst v63  }
0x98: {  	s0 =	sadd.s32 s3, s4;
	s4 =	sand.u32 $0x1FFFFFF0, s5;
	s5 =	spop (v2sf)  }
0x99: {  	[tilespmem:s26], [sflag:$0x2] =	stream.linear.gather [hbm4b:s0+s2], $0x80, $0x38;
	[tilespmem:$0x8200] =	vst v63  }
0x9a: {  	s0 =	sadd.s32 s3, s1;
	s1 =	sand.u32 $0x1FFFFFF0, s5;
	s5 =	spop (v2sf)  }
0x9b: {  	[tilespmem:s23], [sflag:$0x2] =	stream.linear.gather [hbm4b:s0+s2], $0x80, $0x38;
	[tilespmem:$0x8200] =	vst v63  }
0x9c: {  	s0 =	sadd.s32 s3, s4;
	s4 =	sand.u32 $0x1FFFFFF0, s5;
	s5 =	spop (v2sf)  }
0x9d: {  	[tilespmem:s22], [sflag:$0x2] =	stream.linear.gather [hbm4b:s0+s2], $0x80, $0x38;
	[tilespmem:$0x8200] =	vst v63  }
0x9e: {  	s0 =	sadd.s32 s3, s1;
	s1 =	sand.u32 $0x1FFFFFF0, s5;
	s5 =	spop (v2sf)  }
0x9f: {  	[tilespmem:s20], [sflag:$0x2] =	stream.linear.gather [hbm4b:s0+s2], $0x80, $0x38;
	[tilespmem:$0x8200] =	vst v63  }
0xa0: {  	s0 =	sadd.s32 s3, s4;
	s4 =	sand.u32 $0x1FFFFFF0, s5  }
0xa1: {  	[tilespmem:s21], [sflag:$0x2] =	stream.linear.gather [hbm4b:s0+s2], $0x80, $0x38;
	[tilespmem:$0x8200] =	vst v63  }
0xa2: {  	s1 =	sadd.s32 s3, s1;
	s0 =	sadd.s32 $0x4900, s16  }
0xa3: {  	[tilespmem:s0], [sflag:$0x2] =	stream.linear.gather [hbm4b:s1+s2], $0x80, $0x38;
	[tilespmem:$0x8200] =	vst v63  }
0xa4: {  	s0 =	sadd.s32 $0x4980, s16;
	s1 =	sadd.s32 s3, s4  }
0xa5: {  	[tilespmem:s0], [sflag:$0x2] =	stream.linear.gather [hbm4b:s1+s2], $0x80, $0x38;
	[tilespmem:$0x8200] =	vst v63  }
0xa6: {  	v0 =	vld [tilespmem:s17+$0x0];
	_ =	sdelay $0x4  }
0xa7: {  	v0 =	vshll.u32 v0, $0x4  }
0xa8: {  	(v2sf) =	vpush v0, $0x0  }
0xa9: {  	(v2sf) =	vpush v0, $0x1  }
0xaa: {  	(v2sf) =	vpush v0, $0x2;
	_ =	sdelay $0x1  }
0xab: {  	(v2sf) =	vpush v0, $0x4  }
.Ltmp1:
0xac: {  	(pc) =	sbr.rel @p0 .LBB2_4-.Ltmp1, $3  }
0xad: {  	(v2sf) =	vpush v0, $0x3  }
0xae: {  	(v2sf) =	vpush v0, $0x5;
	_ =	sdelay $0x1  }
0xaf: {  	s16 =	sshra.s32 s19, $0x2;
	(v2sf) =	vpush v0, $0x6  }
0xb0: {  	_ =	sdelay $0x1  }
0xb1: {  	s0 =	sadd.s32 $0x4280, s16;
	s19 =	sadd.s32 $0x4780, s16  }
0xb2: {  	s1 =	sadd.s32 $0x4580, s16;
	s17 =	sadd.s32 $0x4800, s16;
	(v2sf) =	vpush v0, $0x7;
	s4 =	sadd.s32 $0x4480, s16  }
0xb3: {  	s5 =	sadd.s32 $0x4600, s16;
	s18 =	sadd.s32 $0x4880, s16;
	s12 =	sadd.s32 $0x4200, s16  }
0xb4: {  	s14 =	sadd.s32 $0x4400, s16;
	s20 =	sadd.s32 $0x4500, s16;
	(v2sf) =	vpush v0, $0x8;
	s21 =	spop (v2sf)  }
0xb5: {  	s22 =	sadd.s32 $0x4300, s16;
	s21 =	sand.u32 $0x1FFFFFF0, s21;
	s23 =	spop (v2sf)  }
0xb6: {  	(v2sf) =	vpush v0, $0x9;
	s21 =	sadd.s32 s3, s21;
	s23 =	sand.u32 $0x1FFFFFF0, s23;
	s24 =	spop (v2sf)  }
0xb7: {  	[tilespmem:s12], [sflag:$0x2] =	stream.linear.gather [hbm4b:s21+s2], $0x80, $0x38;
	[tilespmem:$0x8200] =	vst v63  }
0xb8: {  	s25 =	sadd.s32 $0x4380, s16;
	(v2sf) =	vpush v0, $0xA;
	s29 =	sadd.s32 s3, s23;
	s30 =	spop (v2sf)  }
0xb9: {  	[tilespmem:s0], [sflag:$0x2] =	stream.linear.gather [hbm4b:s29+s2], $0x80, $0x38;
	[tilespmem:$0x8200] =	vst v63  }
0xba: {  	s12 =	sadd.s32 $0x4700, s16;
	s26 =	sand.u32 $0x1FFFFFF0, s24;
	(v2sf) =	vpush v0, $0xB;
	s28 =	spop (v2sf)  }
0xbb: {  	s21 =	sadd.s32 s3, s26;
	s0 =	sadd.s32 $0x4680, s16;
	s24 =	sand.u32 $0x1FFFFFF0, s28  }
0xbc: {  	(v2sf) =	vpush v0, $0xC;
	[tilespmem:s22], [sflag:$0x2] =	stream.linear.gather [hbm4b:s21+s2], $0x80, $0x38;
	[tilespmem:$0x8200] =	vst v63  }
0xbd: {  	s29 =	sand.u32 $0x1FFFFFF0, s30;
	s30 =	spop (v2sf);
	s26 =	sadd.s32 s3, s24  }
0xbe: {  	(v2sf) =	vpush v0, $0xD;
	[tilespmem:s25], [sflag:$0x2] =	stream.linear.gather [hbm4b:s26+s2], $0x80, $0x38;
	[tilespmem:$0x8200] =	vst v63  }
0xbf: {  	s21 =	sadd.s32 s3, s29;
	s22 =	sand.u32 $0x1FFFFFF0, s30;
	s28 =	spop (v2sf)  }
0xc0: {  	(v2sf) =	vpush v0, $0xE;
	[tilespmem:s14], [sflag:$0x2] =	stream.linear.gather [hbm4b:s21+s2], $0x80, $0x38;
	[tilespmem:$0x8200] =	vst v63  }
0xc1: {  	s22 =	sadd.s32 s3, s22;
	s29 =	sand.u32 $0x1FFFFFF0, s28;
	s30 =	spop (v2sf)  }
0xc2: {  	(v2sf) =	vpush v0, $0xF;
	[tilespmem:s4], [sflag:$0x2] =	stream.linear.gather [hbm4b:s22+s2], $0x80, $0x38;
	[tilespmem:$0x8200] =	vst v63  }
0xc3: {  	s23 =	sand.u32 $0x1FFFFFF0, s30;
	s24 =	spop (v2sf);
	s14 =	sadd.s32 s3, s29  }
0xc4: {  	[tilespmem:s20], [sflag:$0x2] =	stream.linear.gather [hbm4b:s14+s2], $0x80, $0x38;
	[tilespmem:$0x8200] =	vst v63  }
0xc5: {  	s25 =	sand.u32 $0x1FFFFFF0, s24;
	s4 =	sadd.s32 s3, s23;
	s26 =	spop (v2sf)  }
0xc6: {  	[tilespmem:s1], [sflag:$0x2] =	stream.linear.gather [hbm4b:s4+s2], $0x80, $0x38;
	[tilespmem:$0x8200] =	vst v63  }
0xc7: {  	s14 =	sadd.s32 s3, s25;
	s28 =	sand.u32 $0x1FFFFFF0, s26;
	s29 =	spop (v2sf)  }
0xc8: {  	[tilespmem:s5], [sflag:$0x2] =	stream.linear.gather [hbm4b:s14+s2], $0x80, $0x38;
	[tilespmem:$0x8200] =	vst v63  }
0xc9: {  	s4 =	sand.u32 $0x1FFFFFF0, s29;
	s1 =	sadd.s32 s3, s28;
	s30 =	spop (v2sf)  }
0xca: {  	[tilespmem:s0], [sflag:$0x2] =	stream.linear.gather [hbm4b:s1+s2], $0x80, $0x38;
	[tilespmem:$0x8200] =	vst v63  }
0xcb: {  	s4 =	sadd.s32 s3, s4;
	s5 =	sand.u32 $0x1FFFFFF0, s30;
	s14 =	spop (v2sf)  }
0xcc: {  	[tilespmem:s12], [sflag:$0x2] =	stream.linear.gather [hbm4b:s4+s2], $0x80, $0x38;
	[tilespmem:$0x8200] =	vst v63  }
0xcd: {  	s0 =	sadd.s32 s3, s5;
	s1 =	sand.u32 $0x1FFFFFF0, s14;
	s20 =	spop (v2sf)  }
0xce: {  	[tilespmem:s19], [sflag:$0x2] =	stream.linear.gather [hbm4b:s0+s2], $0x80, $0x38;
	[tilespmem:$0x8200] =	vst v63  }
0xcf: {  	s21 =	sand.u32 $0x1FFFFFF0, s20;
	s1 =	sadd.s32 s3, s1;
	s22 =	spop (v2sf)  }
0xd0: {  	[tilespmem:s17], [sflag:$0x2] =	stream.linear.gather [hbm4b:s1+s2], $0x80, $0x38;
	[tilespmem:$0x8200] =	vst v63  }
0xd1: {  	s23 =	sand.u32 $0x1FFFFFF0, s22;
	s24 =	spop (v2sf);
	s0 =	sadd.s32 s3, s21  }
0xd2: {  	[tilespmem:s18], [sflag:$0x2] =	stream.linear.gather [hbm4b:s0+s2], $0x80, $0x38;
	[tilespmem:$0x8200] =	vst v63  }
0xd3: {  	s26 =	sadd.s32 $0x4900, s16;
	s25 =	sand.u32 $0x1FFFFFF0, s24;
	s1 =	sadd.s32 s3, s23  }
0xd4: {  	[tilespmem:s26], [sflag:$0x2] =	stream.linear.gather [hbm4b:s1+s2], $0x80, $0x38;
	[tilespmem:$0x8200] =	vst v63  }
0xd5: {  	s28 =	sadd.s32 $0x4980, s16;
	s0 =	sadd.s32 s3, s25  }
0xd6: {  	[tilespmem:s28], [sflag:$0x2] =	stream.linear.gather [hbm4b:s0+s2], $0x80, $0x38;
	[tilespmem:$0x8200] =	vst v63  }
0xd7: {  	_ =	swait.ge [sflag:s11], $0x4000  }
0xd8: {  	s31 =	simm.s32 $0x200;
	[sflag:s11] =	ssyncset.done $0x0  }
0xd9: {  	s29 =	simm.s32 $0x0;
	s30 =	rddreg [dreg:$0x4];
	[sflag:s11] =	ssyncadd.s32 $0xFFFFC000  }
0xda: {  	[hbm4b:s30+s29] =	stream.linear.scatter [tilespmem:s31], [sflag:$0x3], $0x4000, $0x38;
	[tilespmem:$0x8200] =	vst v63  }
0xdb: {  	_ =	swait.ge [sflag:s10], $0x4000  }
0xdc: {  	[sflag:s10] =	ssyncset.done $0x0  }
0xdd: {  	s17 =	simm.s32 $0x100;
	[sflag:s10] =	ssyncadd.s32 $0xFFFFC000  }
0xde: {  	v0 =	vld [tilespmem:s17+$0x0];
	_ =	sdelay $0x4  }
0xdf: {  	v0 =	vshll.u32 v0, $0x4  }
0xe0: {  	(v2sf) =	vpush v0, $0x0  }
0xe1: {  	(v2sf) =	vpush v0, $0x1  }
0xe2: {  	(v2sf) =	vpush v0, $0x2;
	_ =	sdelay $0x1  }
0xe3: {  	(v2sf) =	vpush v0, $0x4;
	_ =	sdelay $0x1  }
0xe4: {  	(v2sf) =	vpush v0, $0x3  }
0xe5: {  	(v2sf) =	vpush v0, $0x5  }
0xe6: {  	s16 =	simm.s32 $0x0;
	s18 =	simm.s32 $0x2000;
	(v2sf) =	vpush v0, $0x6  }
.LBB2_6:
0xe7: {  	p0 =	sne.s32 s18, $0xE000  }
0xe8: {  	s0 =	sadd.s32 $0x280, s16;
	s22 =	sadd.s32 $0x780, s16;
	s19 =	smov.u32 s18  }
0xe9: {  	s18 =	sadd.s32 $0x2000, s18;
	s25 =	sadd.s32 $0x580, s16;
	s20 =	sadd.s32 $0x800, s16;
	(v2sf) =	vpush v0, $0x7  }
0xea: {  	s28 =	sadd.s32 $0x480, s16;
	s24 =	sadd.s32 $0x600, s16;
	s21 =	sadd.s32 $0x880, s16  }
0xeb: {  	s1 =	sadd.s32 $0x200, s16;
	s4 =	sadd.s32 $0x400, s16;
	(v2sf) =	vpush v0, $0x8  }
0xec: {  	s5 =	sadd.s32 $0x500, s16;
	s17 =	sadd.s32 $0x10, s17  }
0xed: {  	s12 =	sadd.s32 $0x300, s16;
	s23 =	sadd.s32 $0x700, s16;
	s14 =	spop (v2sf);
	(v2sf) =	vpush v0, $0x9  }
0xee: {  	s26 =	sadd.s32 $0x680, s16;
	s14 =	sand.u32 $0x1FFFFFF0, s14;
	s29 =	spop (v2sf)  }
0xef: {  	s14 =	sadd.s32 s3, s14;
	s29 =	sand.u32 $0x1FFFFFF0, s29;
	s30 =	spop (v2sf);
	(v2sf) =	vpush v0, $0xA  }
0xf0: {  	[tilespmem:s1], [sflag:$0x1] =	stream.linear.gather [hbm4b:s14+s2], $0x80, $0x38;
	[tilespmem:$0x8200] =	vst v63  }
0xf1: {  	s1 =	sadd.s32 s3, s29;
	s14 =	sadd.s32 $0x380, s16;
	s29 =	spop (v2sf);
	(v2sf) =	vpush v0, $0xB  }
0xf2: {  	[tilespmem:s0], [sflag:$0x1] =	stream.linear.gather [hbm4b:s1+s2], $0x80, $0x38;
	[tilespmem:$0x8200] =	vst v63  }
0xf3: {  	s0 =	sand.u32 $0x1FFFFFF0, s30;
	s1 =	sand.u32 $0x1FFFFFF0, s29;
	s29 =	spop (v2sf);
	(v2sf) =	vpush v0, $0xC  }
0xf4: {  	s0 =	sadd.s32 s3, s0;
	s29 =	sand.u32 $0x1FFFFFF0, s29;
	s30 =	spop (v2sf)  }
0xf5: {  	[tilespmem:s12], [sflag:$0x1] =	stream.linear.gather [hbm4b:s0+s2], $0x80, $0x38;
	(v2sf) =	vpush v0, $0xD;
	[tilespmem:$0x8200] =	vst v63  }
0xf6: {  	s0 =	sadd.s32 s3, s29;
	s12 =	sand.u32 $0x1FFFFFF0, s30;
	s29 =	spop (v2sf)  }
0xf7: {  	[tilespmem:s14], [sflag:$0x1] =	stream.linear.gather [hbm4b:s0+s2], $0x80, $0x38;
	(v2sf) =	vpush v0, $0xE;
	[tilespmem:$0x8200] =	vst v63  }
0xf8: {  	s0 =	sadd.s32 s3, s1;
	s1 =	sand.u32 $0x1FFFFFF0, s29;
	s14 =	spop (v2sf)  }
0xf9: {  	[tilespmem:s4], [sflag:$0x1] =	stream.linear.gather [hbm4b:s0+s2], $0x80, $0x38;
	(v2sf) =	vpush v0, $0xF;
	[tilespmem:$0x8200] =	vst v63  }
0xfa: {  	s0 =	sadd.s32 s3, s12;
	s4 =	sand.u32 $0x1FFFFFF0, s14;
	s12 =	spop (v2sf)  }
0xfb: {  	[tilespmem:s28], [sflag:$0x1] =	stream.linear.gather [hbm4b:s0+s2], $0x80, $0x38;
	[tilespmem:$0x8200] =	vst v63  }
0xfc: {  	s0 =	sadd.s32 s3, s1;
	s1 =	sand.u32 $0x1FFFFFF0, s12;
	s12 =	spop (v2sf)  }
0xfd: {  	[tilespmem:s5], [sflag:$0x1] =	stream.linear.gather [hbm4b:s0+s2], $0x80, $0x38;
	[tilespmem:$0x8200] =	vst v63  }
0xfe: {  	s0 =	sadd.s32 s3, s4;
	s4 =	sand.u32 $0x1FFFFFF0, s12;
	s5 =	spop (v2sf)  }
0xff: {  	[tilespmem:s25], [sflag:$0x1] =	stream.linear.gather [hbm4b:s0+s2], $0x80, $0x38;
	[tilespmem:$0x8200] =	vst v63  }
0x100: {  	s0 =	sadd.s32 s3, s1;
	s1 =	sand.u32 $0x1FFFFFF0, s5;
	s5 =	spop (v2sf)  }
0x101: {  	[tilespmem:s24], [sflag:$0x1] =	stream.linear.gather [hbm4b:s0+s2], $0x80, $0x38;
	[tilespmem:$0x8200] =	vst v63  }
0x102: {  	s0 =	sadd.s32 s3, s4;
	s4 =	sand.u32 $0x1FFFFFF0, s5;
	s5 =	spop (v2sf)  }
0x103: {  	[tilespmem:s26], [sflag:$0x1] =	stream.linear.gather [hbm4b:s0+s2], $0x80, $0x38;
	[tilespmem:$0x8200] =	vst v63  }
0x104: {  	s0 =	sadd.s32 s3, s1;
	s1 =	sand.u32 $0x1FFFFFF0, s5;
	s5 =	spop (v2sf)  }
0x105: {  	[tilespmem:s23], [sflag:$0x1] =	stream.linear.gather [hbm4b:s0+s2], $0x80, $0x38;
	[tilespmem:$0x8200] =	vst v63  }
0x106: {  	s0 =	sadd.s32 s3, s4;
	s4 =	sand.u32 $0x1FFFFFF0, s5;
	s5 =	spop (v2sf)  }
0x107: {  	[tilespmem:s22], [sflag:$0x1] =	stream.linear.gather [hbm4b:s0+s2], $0x80, $0x38;
	[tilespmem:$0x8200] =	vst v63  }
0x108: {  	s0 =	sadd.s32 s3, s1;
	s1 =	sand.u32 $0x1FFFFFF0, s5;
	s5 =	spop (v2sf)  }
0x109: {  	[tilespmem:s20], [sflag:$0x1] =	stream.linear.gather [hbm4b:s0+s2], $0x80, $0x38;
	[tilespmem:$0x8200] =	vst v63  }
0x10a: {  	s0 =	sadd.s32 s3, s4;
	s4 =	sand.u32 $0x1FFFFFF0, s5  }
0x10b: {  	[tilespmem:s21], [sflag:$0x1] =	stream.linear.gather [hbm4b:s0+s2], $0x80, $0x38;
	[tilespmem:$0x8200] =	vst v63  }
0x10c: {  	s1 =	sadd.s32 s3, s1;
	s0 =	sadd.s32 $0x900, s16  }
0x10d: {  	[tilespmem:s0], [sflag:$0x1] =	stream.linear.gather [hbm4b:s1+s2], $0x80, $0x38;
	[tilespmem:$0x8200] =	vst v63  }
0x10e: {  	s0 =	sadd.s32 $0x980, s16;
	s1 =	sadd.s32 s3, s4  }
0x10f: {  	[tilespmem:s0], [sflag:$0x1] =	stream.linear.gather [hbm4b:s1+s2], $0x80, $0x38;
	[tilespmem:$0x8200] =	vst v63  }
0x110: {  	v0 =	vld [tilespmem:s17+$0x0];
	_ =	sdelay $0x4  }
0x111: {  	v0 =	vshll.u32 v0, $0x4  }
0x112: {  	(v2sf) =	vpush v0, $0x0  }
0x113: {  	(v2sf) =	vpush v0, $0x1  }
0x114: {  	(v2sf) =	vpush v0, $0x2;
	_ =	sdelay $0x1  }
0x115: {  	(v2sf) =	vpush v0, $0x4  }
.Ltmp2:
0x116: {  	(pc) =	sbr.rel @p0 .LBB2_6-.Ltmp2, $3  }
0x117: {  	(v2sf) =	vpush v0, $0x3  }
0x118: {  	(v2sf) =	vpush v0, $0x5;
	_ =	sdelay $0x1  }
0x119: {  	s16 =	sshra.s32 s19, $0x2;
	(v2sf) =	vpush v0, $0x6  }
0x11a: {  	_ =	sdelay $0x1  }
0x11b: {  	s0 =	sadd.s32 $0x280, s16;
	s19 =	sadd.s32 $0x780, s16  }
0x11c: {  	s1 =	sadd.s32 $0x580, s16;
	s17 =	sadd.s32 $0x800, s16;
	(v2sf) =	vpush v0, $0x7;
	s4 =	sadd.s32 $0x480, s16  }
0x11d: {  	s5 =	sadd.s32 $0x600, s16;
	s18 =	sadd.s32 $0x880, s16;
	s12 =	sadd.s32 $0x200, s16  }
0x11e: {  	s14 =	sadd.s32 $0x400, s16;
	s20 =	sadd.s32 $0x500, s16;
	(v2sf) =	vpush v0, $0x8;
	s21 =	spop (v2sf)  }
0x11f: {  	s22 =	sadd.s32 $0x300, s16;
	s21 =	sand.u32 $0x1FFFFFF0, s21;
	s23 =	spop (v2sf)  }
0x120: {  	(v2sf) =	vpush v0, $0x9;
	s21 =	sadd.s32 s3, s21;
	s23 =	sand.u32 $0x1FFFFFF0, s23;
	s24 =	spop (v2sf)  }
0x121: {  	[tilespmem:s12], [sflag:$0x1] =	stream.linear.gather [hbm4b:s21+s2], $0x80, $0x38;
	[tilespmem:$0x8200] =	vst v63  }
0x122: {  	s25 =	sadd.s32 $0x380, s16;
	(v2sf) =	vpush v0, $0xA;
	s29 =	sadd.s32 s3, s23;
	s30 =	spop (v2sf)  }
0x123: {  	[tilespmem:s0], [sflag:$0x1] =	stream.linear.gather [hbm4b:s29+s2], $0x80, $0x38;
	[tilespmem:$0x8200] =	vst v63  }
0x124: {  	s12 =	sadd.s32 $0x700, s16;
	s26 =	sand.u32 $0x1FFFFFF0, s24;
	(v2sf) =	vpush v0, $0xB;
	s28 =	spop (v2sf)  }
0x125: {  	s21 =	sadd.s32 s3, s26;
	s0 =	sadd.s32 $0x680, s16;
	s24 =	sand.u32 $0x1FFFFFF0, s28  }
0x126: {  	(v2sf) =	vpush v0, $0xC;
	[tilespmem:s22], [sflag:$0x1] =	stream.linear.gather [hbm4b:s21+s2], $0x80, $0x38;
	[tilespmem:$0x8200] =	vst v63  }
0x127: {  	s29 =	sand.u32 $0x1FFFFFF0, s30;
	s30 =	spop (v2sf);
	s26 =	sadd.s32 s3, s24  }
0x128: {  	(v2sf) =	vpush v0, $0xD;
	[tilespmem:s25], [sflag:$0x1] =	stream.linear.gather [hbm4b:s26+s2], $0x80, $0x38;
	[tilespmem:$0x8200] =	vst v63  }
0x129: {  	s21 =	sadd.s32 s3, s29;
	s22 =	sand.u32 $0x1FFFFFF0, s30;
	s28 =	spop (v2sf)  }
0x12a: {  	(v2sf) =	vpush v0, $0xE;
	[tilespmem:s14], [sflag:$0x1] =	stream.linear.gather [hbm4b:s21+s2], $0x80, $0x38;
	[tilespmem:$0x8200] =	vst v63  }
0x12b: {  	s22 =	sadd.s32 s3, s22;
	s29 =	sand.u32 $0x1FFFFFF0, s28;
	s30 =	spop (v2sf)  }
0x12c: {  	(v2sf) =	vpush v0, $0xF;
	[tilespmem:s4], [sflag:$0x1] =	stream.linear.gather [hbm4b:s22+s2], $0x80, $0x38;
	[tilespmem:$0x8200] =	vst v63  }
0x12d: {  	s23 =	sand.u32 $0x1FFFFFF0, s30;
	s24 =	spop (v2sf);
	s14 =	sadd.s32 s3, s29  }
0x12e: {  	[tilespmem:s20], [sflag:$0x1] =	stream.linear.gather [hbm4b:s14+s2], $0x80, $0x38;
	[tilespmem:$0x8200] =	vst v63  }
0x12f: {  	s25 =	sand.u32 $0x1FFFFFF0, s24;
	s4 =	sadd.s32 s3, s23;
	s26 =	spop (v2sf)  }
0x130: {  	[tilespmem:s1], [sflag:$0x1] =	stream.linear.gather [hbm4b:s4+s2], $0x80, $0x38;
	[tilespmem:$0x8200] =	vst v63  }
0x131: {  	s14 =	sadd.s32 s3, s25;
	s28 =	sand.u32 $0x1FFFFFF0, s26;
	s29 =	spop (v2sf)  }
0x132: {  	[tilespmem:s5], [sflag:$0x1] =	stream.linear.gather [hbm4b:s14+s2], $0x80, $0x38;
	[tilespmem:$0x8200] =	vst v63  }
0x133: {  	s4 =	sand.u32 $0x1FFFFFF0, s29;
	s1 =	sadd.s32 s3, s28;
	s30 =	spop (v2sf)  }
0x134: {  	[tilespmem:s0], [sflag:$0x1] =	stream.linear.gather [hbm4b:s1+s2], $0x80, $0x38;
	[tilespmem:$0x8200] =	vst v63  }
0x135: {  	s4 =	sadd.s32 s3, s4;
	s5 =	sand.u32 $0x1FFFFFF0, s30;
	s14 =	spop (v2sf)  }
0x136: {  	[tilespmem:s12], [sflag:$0x1] =	stream.linear.gather [hbm4b:s4+s2], $0x80, $0x38;
	[tilespmem:$0x8200] =	vst v63  }
0x137: {  	s0 =	sadd.s32 s3, s5;
	s1 =	sand.u32 $0x1FFFFFF0, s14;
	s20 =	spop (v2sf)  }
0x138: {  	[tilespmem:s19], [sflag:$0x1] =	stream.linear.gather [hbm4b:s0+s2], $0x80, $0x38;
	[tilespmem:$0x8200] =	vst v63  }
0x139: {  	s21 =	sand.u32 $0x1FFFFFF0, s20;
	s1 =	sadd.s32 s3, s1;
	s22 =	spop (v2sf)  }
0x13a: {  	[tilespmem:s17], [sflag:$0x1] =	stream.linear.gather [hbm4b:s1+s2], $0x80, $0x38;
	[tilespmem:$0x8200] =	vst v63  }
0x13b: {  	s23 =	sand.u32 $0x1FFFFFF0, s22;
	s24 =	spop (v2sf);
	s0 =	sadd.s32 s3, s21  }
0x13c: {  	[tilespmem:s18], [sflag:$0x1] =	stream.linear.gather [hbm4b:s0+s2], $0x80, $0x38;
	[tilespmem:$0x8200] =	vst v63  }
0x13d: {  	s26 =	sadd.s32 $0x900, s16;
	s25 =	sand.u32 $0x1FFFFFF0, s24;
	s1 =	sadd.s32 s3, s23  }
0x13e: {  	[tilespmem:s26], [sflag:$0x1] =	stream.linear.gather [hbm4b:s1+s2], $0x80, $0x38;
	[tilespmem:$0x8200] =	vst v63  }
0x13f: {  	s28 =	sadd.s32 $0x980, s16;
	s0 =	sadd.s32 s3, s25  }
0x140: {  	[tilespmem:s28], [sflag:$0x1] =	stream.linear.gather [hbm4b:s0+s2], $0x80, $0x38;
	[tilespmem:$0x8200] =	vst v63  }
0x141: {  	_ =	swait.ge [sflag:s13], $0x4000  }
0x142: {  	[sflag:s13] =	ssyncset.done $0x0  }
0x143: {  	s29 =	simm.s32 $0x0;
	s30 =	simm.s32 $0x4200;
	[sflag:s13] =	ssyncadd.s32 $0xFFFFC000  }
0x144: {  	[hbm4b:s6+s29] =	stream.linear.scatter [tilespmem:s30], [sflag:$0x3], $0x4000, $0x38;
	[tilespmem:$0x8200] =	vst v63  }
0x145: {  	_ =	swait.ge [sflag:s10], $0x4000  }
0x146: {  	[sflag:s10] =	ssyncset.done $0x0  }
0x147: {  	s17 =	simm.s32 $0x180;
	[sflag:s10] =	ssyncadd.s32 $0xFFFFC000  }
0x148: {  	v0 =	vld [tilespmem:s17+$0x0];
	_ =	sdelay $0x4  }
0x149: {  	v0 =	vshll.u32 v0, $0x4  }
0x14a: {  	(v2sf) =	vpush v0, $0x0  }
0x14b: {  	(v2sf) =	vpush v0, $0x1  }
0x14c: {  	(v2sf) =	vpush v0, $0x2;
	_ =	sdelay $0x1  }
0x14d: {  	(v2sf) =	vpush v0, $0x4;
	_ =	sdelay $0x1  }
0x14e: {  	(v2sf) =	vpush v0, $0x3  }
0x14f: {  	(v2sf) =	vpush v0, $0x5  }
0x150: {  	s16 =	simm.s32 $0x0;
	s18 =	simm.s32 $0x2000;
	(v2sf) =	vpush v0, $0x6  }
.LBB2_8:
0x151: {  	p0 =	sne.s32 s18, $0xE000  }
0x152: {  	s0 =	sadd.s32 $0x4280, s16;
	s22 =	sadd.s32 $0x4780, s16;
	s19 =	smov.u32 s18  }
0x153: {  	s18 =	sadd.s32 $0x2000, s18;
	s25 =	sadd.s32 $0x4580, s16;
	s20 =	sadd.s32 $0x4800, s16;
	(v2sf) =	vpush v0, $0x7  }
0x154: {  	s28 =	sadd.s32 $0x4480, s16;
	s24 =	sadd.s32 $0x4600, s16;
	s21 =	sadd.s32 $0x4880, s16  }
0x155: {  	s1 =	sadd.s32 $0x4200, s16;
	s4 =	sadd.s32 $0x4400, s16;
	(v2sf) =	vpush v0, $0x8  }
0x156: {  	s5 =	sadd.s32 $0x4500, s16;
	s17 =	sadd.s32 $0x10, s17  }
0x157: {  	s12 =	sadd.s32 $0x4300, s16;
	s23 =	sadd.s32 $0x4700, s16;
	s14 =	spop (v2sf);
	(v2sf) =	vpush v0, $0x9  }
0x158: {  	s26 =	sadd.s32 $0x4680, s16;
	s14 =	sand.u32 $0x1FFFFFF0, s14;
	s29 =	spop (v2sf)  }
0x159: {  	s14 =	sadd.s32 s3, s14;
	s29 =	sand.u32 $0x1FFFFFF0, s29;
	s30 =	spop (v2sf);
	(v2sf) =	vpush v0, $0xA  }
0x15a: {  	[tilespmem:s1], [sflag:$0x2] =	stream.linear.gather [hbm4b:s14+s2], $0x80, $0x38;
	[tilespmem:$0x8200] =	vst v63  }
0x15b: {  	s1 =	sadd.s32 s3, s29;
	s14 =	sadd.s32 $0x4380, s16;
	s29 =	spop (v2sf);
	(v2sf) =	vpush v0, $0xB  }
0x15c: {  	[tilespmem:s0], [sflag:$0x2] =	stream.linear.gather [hbm4b:s1+s2], $0x80, $0x38;
	[tilespmem:$0x8200] =	vst v63  }
0x15d: {  	s0 =	sand.u32 $0x1FFFFFF0, s30;
	s1 =	sand.u32 $0x1FFFFFF0, s29;
	s29 =	spop (v2sf);
	(v2sf) =	vpush v0, $0xC  }
0x15e: {  	s0 =	sadd.s32 s3, s0;
	s29 =	sand.u32 $0x1FFFFFF0, s29;
	s30 =	spop (v2sf)  }
0x15f: {  	[tilespmem:s12], [sflag:$0x2] =	stream.linear.gather [hbm4b:s0+s2], $0x80, $0x38;
	(v2sf) =	vpush v0, $0xD;
	[tilespmem:$0x8200] =	vst v63  }
0x160: {  	s0 =	sadd.s32 s3, s29;
	s12 =	sand.u32 $0x1FFFFFF0, s30;
	s29 =	spop (v2sf)  }
0x161: {  	[tilespmem:s14], [sflag:$0x2] =	stream.linear.gather [hbm4b:s0+s2], $0x80, $0x38;
	(v2sf) =	vpush v0, $0xE;
	[tilespmem:$0x8200] =	vst v63  }
0x162: {  	s0 =	sadd.s32 s3, s1;
	s1 =	sand.u32 $0x1FFFFFF0, s29;
	s14 =	spop (v2sf)  }
0x163: {  	[tilespmem:s4], [sflag:$0x2] =	stream.linear.gather [hbm4b:s0+s2], $0x80, $0x38;
	(v2sf) =	vpush v0, $0xF;
	[tilespmem:$0x8200] =	vst v63  }
0x164: {  	s0 =	sadd.s32 s3, s12;
	s4 =	sand.u32 $0x1FFFFFF0, s14;
	s12 =	spop (v2sf)  }
0x165: {  	[tilespmem:s28], [sflag:$0x2] =	stream.linear.gather [hbm4b:s0+s2], $0x80, $0x38;
	[tilespmem:$0x8200] =	vst v63  }
0x166: {  	s0 =	sadd.s32 s3, s1;
	s1 =	sand.u32 $0x1FFFFFF0, s12;
	s12 =	spop (v2sf)  }
0x167: {  	[tilespmem:s5], [sflag:$0x2] =	stream.linear.gather [hbm4b:s0+s2], $0x80, $0x38;
	[tilespmem:$0x8200] =	vst v63  }
0x168: {  	s0 =	sadd.s32 s3, s4;
	s4 =	sand.u32 $0x1FFFFFF0, s12;
	s5 =	spop (v2sf)  }
0x169: {  	[tilespmem:s25], [sflag:$0x2] =	stream.linear.gather [hbm4b:s0+s2], $0x80, $0x38;
	[tilespmem:$0x8200] =	vst v63  }
0x16a: {  	s0 =	sadd.s32 s3, s1;
	s1 =	sand.u32 $0x1FFFFFF0, s5;
	s5 =	spop (v2sf)  }
0x16b: {  	[tilespmem:s24], [sflag:$0x2] =	stream.linear.gather [hbm4b:s0+s2], $0x80, $0x38;
	[tilespmem:$0x8200] =	vst v63  }
0x16c: {  	s0 =	sadd.s32 s3, s4;
	s4 =	sand.u32 $0x1FFFFFF0, s5;
	s5 =	spop (v2sf)  }
0x16d: {  	[tilespmem:s26], [sflag:$0x2] =	stream.linear.gather [hbm4b:s0+s2], $0x80, $0x38;
	[tilespmem:$0x8200] =	vst v63  }
0x16e: {  	s0 =	sadd.s32 s3, s1;
	s1 =	sand.u32 $0x1FFFFFF0, s5;
	s5 =	spop (v2sf)  }
0x16f: {  	[tilespmem:s23], [sflag:$0x2] =	stream.linear.gather [hbm4b:s0+s2], $0x80, $0x38;
	[tilespmem:$0x8200] =	vst v63  }
0x170: {  	s0 =	sadd.s32 s3, s4;
	s4 =	sand.u32 $0x1FFFFFF0, s5;
	s5 =	spop (v2sf)  }
0x171: {  	[tilespmem:s22], [sflag:$0x2] =	stream.linear.gather [hbm4b:s0+s2], $0x80, $0x38;
	[tilespmem:$0x8200] =	vst v63  }
0x172: {  	s0 =	sadd.s32 s3, s1;
	s1 =	sand.u32 $0x1FFFFFF0, s5;
	s5 =	spop (v2sf)  }
0x173: {  	[tilespmem:s20], [sflag:$0x2] =	stream.linear.gather [hbm4b:s0+s2], $0x80, $0x38;
	[tilespmem:$0x8200] =	vst v63  }
0x174: {  	s0 =	sadd.s32 s3, s4;
	s4 =	sand.u32 $0x1FFFFFF0, s5  }
0x175: {  	[tilespmem:s21], [sflag:$0x2] =	stream.linear.gather [hbm4b:s0+s2], $0x80, $0x38;
	[tilespmem:$0x8200] =	vst v63  }
0x176: {  	s1 =	sadd.s32 s3, s1;
	s0 =	sadd.s32 $0x4900, s16  }
0x177: {  	[tilespmem:s0], [sflag:$0x2] =	stream.linear.gather [hbm4b:s1+s2], $0x80, $0x38;
	[tilespmem:$0x8200] =	vst v63  }
0x178: {  	s0 =	sadd.s32 $0x4980, s16;
	s1 =	sadd.s32 s3, s4  }
0x179: {  	[tilespmem:s0], [sflag:$0x2] =	stream.linear.gather [hbm4b:s1+s2], $0x80, $0x38;
	[tilespmem:$0x8200] =	vst v63  }
0x17a: {  	v0 =	vld [tilespmem:s17+$0x0];
	_ =	sdelay $0x4  }
0x17b: {  	v0 =	vshll.u32 v0, $0x4  }
0x17c: {  	(v2sf) =	vpush v0, $0x0  }
0x17d: {  	(v2sf) =	vpush v0, $0x1  }
0x17e: {  	(v2sf) =	vpush v0, $0x2;
	_ =	sdelay $0x1  }
0x17f: {  	(v2sf) =	vpush v0, $0x4  }
.Ltmp3:
0x180: {  	(pc) =	sbr.rel @p0 .LBB2_8-.Ltmp3, $3  }
0x181: {  	(v2sf) =	vpush v0, $0x3  }
0x182: {  	(v2sf) =	vpush v0, $0x5;
	_ =	sdelay $0x1  }
0x183: {  	s16 =	sshra.s32 s19, $0x2;
	(v2sf) =	vpush v0, $0x6  }
0x184: {  	_ =	sdelay $0x5  }
0x185: {  	s0 =	spop (v2sf)  }
0x186: {  	s1 =	spop (v2sf)  }
0x187: {  	s18 =	spop (v2sf)  }
0x188: {  	s21 =	spop (v2sf);
	(v2sf) =	vpush v0, $0x7  }
0x189: {  	s0 =	sand.u32 $0x1FFFFFF0, s0  }
0x18a: {  	s4 =	sadd.s32 $0x4200, s16;
	s0 =	sadd.s32 s3, s0  }
0x18b: {  	[tilespmem:s4], [sflag:$0x2] =	stream.linear.gather [hbm4b:s0+s2], $0x80, $0x38;
	[tilespmem:$0x8200] =	vst v63  }
0x18c: {  	s1 =	sand.u32 $0x1FFFFFF0, s1;
	s22 =	spop (v2sf);
	(v2sf) =	vpush v0, $0x8  }
0x18d: {  	s17 =	sadd.s32 $0x4280, s16;
	s1 =	sadd.s32 s3, s1  }
0x18e: {  	[tilespmem:s17], [sflag:$0x2] =	stream.linear.gather [hbm4b:s1+s2], $0x80, $0x38;
	[tilespmem:$0x8200] =	vst v63  }
0x18f: {  	s19 =	sand.u32 $0x1FFFFFF0, s18;
	s26 =	spop (v2sf);
	(v2sf) =	vpush v0, $0x9  }
0x190: {  	s20 =	sadd.s32 $0x4300, s16;
	s0 =	sadd.s32 s3, s19  }
0x191: {  	[tilespmem:s20], [sflag:$0x2] =	stream.linear.gather [hbm4b:s0+s2], $0x80, $0x38;
	[tilespmem:$0x8200] =	vst v63  }
0x192: {  	s0 =	sand.u32 $0x1FFFFFF0, s22;
	s29 =	spop (v2sf);
	(v2sf) =	vpush v0, $0xA  }
0x193: {  	s23 =	sadd.s32 $0x4380, s16;
	s24 =	sand.u32 $0x1FFFFFF0, s21;
	s0 =	sadd.s32 s3, s0  }
0x194: {  	[tilespmem:s23], [sflag:$0x2] =	stream.linear.gather [hbm4b:s0+s2], $0x80, $0x38;
	[tilespmem:$0x8200] =	vst v63  }
0x195: {  	s25 =	sadd.s32 $0x4400, s16;
	s0 =	sadd.s32 s3, s24  }
0x196: {  	[tilespmem:s25], [sflag:$0x2] =	stream.linear.gather [hbm4b:s0+s2], $0x80, $0x38;
	[tilespmem:$0x8200] =	vst v63  }
0x197: {  	s0 =	sand.u32 $0x1FFFFFF0, s26;
	s1 =	spop (v2sf);
	(v2sf) =	vpush v0, $0xB  }
0x198: {  	s28 =	sadd.s32 $0x4480, s16;
	s0 =	sadd.s32 s3, s0  }
0x199: {  	[tilespmem:s28], [sflag:$0x2] =	stream.linear.gather [hbm4b:s0+s2], $0x80, $0x38;
	[tilespmem:$0x8200] =	vst v63  }
0x19a: {  	s0 =	sand.u32 $0x1FFFFFF0, s29  }
0x19b: {  	s30 =	sadd.s32 $0x4500, s16;
	s0 =	sadd.s32 s3, s0;
	s5 =	spop (v2sf);
	(v2sf) =	vpush v0, $0xC  }
0x19c: {  	[tilespmem:s30], [sflag:$0x2] =	stream.linear.gather [hbm4b:s0+s2], $0x80, $0x38;
	[tilespmem:$0x8200] =	vst v63  }
0x19d: {  	s0 =	sand.u32 $0x1FFFFFF0, s1  }
0x19e: {  	s4 =	sadd.s32 $0x4580, s16;
	s0 =	sadd.s32 s3, s0;
	s14 =	spop (v2sf);
	(v2sf) =	vpush v0, $0xD  }
0x19f: {  	[tilespmem:s4], [sflag:$0x2] =	stream.linear.gather [hbm4b:s0+s2], $0x80, $0x38;
	[tilespmem:$0x8200] =	vst v63  }
0x1a0: {  	s0 =	sand.u32 $0x1FFFFFF0, s5  }
0x1a1: {  	s12 =	sadd.s32 $0x4600, s16;
	s0 =	sadd.s32 s3, s0;
	s18 =	spop (v2sf);
	(v2sf) =	vpush v0, $0xE  }
0x1a2: {  	[tilespmem:s12], [sflag:$0x2] =	stream.linear.gather [hbm4b:s0+s2], $0x80, $0x38;
	[tilespmem:$0x8200] =	vst v63  }
0x1a3: {  	s0 =	sand.u32 $0x1FFFFFF0, s14  }
0x1a4: {  	s17 =	sadd.s32 $0x4680, s16;
	s0 =	sadd.s32 s3, s0  }
0x1a5: {  	[tilespmem:s17], [sflag:$0x2] =	stream.linear.gather [hbm4b:s0+s2], $0x80, $0x38;
	[tilespmem:$0x8200] =	vst v63  }
0x1a6: {  	s0 =	sand.u32 $0x1FFFFFF0, s18;
	s20 =	spop (v2sf);
	(v2sf) =	vpush v0, $0xF  }
0x1a7: {  	s19 =	sadd.s32 $0x4700, s16;
	s0 =	sadd.s32 s3, s0  }
0x1a8: {  	[tilespmem:s19], [sflag:$0x2] =	stream.linear.gather [hbm4b:s0+s2], $0x80, $0x38;
	[tilespmem:$0x8200] =	vst v63  }
0x1a9: {  	s0 =	sand.u32 $0x1FFFFFF0, s20  }
0x1aa: {  	s21 =	sadd.s32 $0x4780, s16;
	s0 =	sadd.s32 s3, s0;
	s22 =	spop (v2sf)  }
0x1ab: {  	[tilespmem:s21], [sflag:$0x2] =	stream.linear.gather [hbm4b:s0+s2], $0x80, $0x38;
	[tilespmem:$0x8200] =	vst v63  }
0x1ac: {  	s0 =	sand.u32 $0x1FFFFFF0, s22  }
0x1ad: {  	s23 =	sadd.s32 $0x4800, s16;
	s24 =	spop (v2sf);
	s0 =	sadd.s32 s3, s0  }
0x1ae: {  	[tilespmem:s23], [sflag:$0x2] =	stream.linear.gather [hbm4b:s0+s2], $0x80, $0x38;
	[tilespmem:$0x8200] =	vst v63  }
0x1af: {  	s0 =	sand.u32 $0x1FFFFFF0, s24  }
0x1b0: {  	s25 =	sadd.s32 $0x4880, s16;
	s26 =	spop (v2sf);
	s0 =	sadd.s32 s3, s0  }
0x1b1: {  	[tilespmem:s25], [sflag:$0x2] =	stream.linear.gather [hbm4b:s0+s2], $0x80, $0x38;
	[tilespmem:$0x8200] =	vst v63  }
0x1b2: {  	s0 =	sand.u32 $0x1FFFFFF0, s26  }
0x1b3: {  	s28 =	sadd.s32 $0x4900, s16;
	s0 =	sadd.s32 s3, s0  }
0x1b4: {  	[tilespmem:s28], [sflag:$0x2] =	stream.linear.gather [hbm4b:s0+s2], $0x80, $0x38;
	[tilespmem:$0x8200] =	vst v63  }
0x1b5: {  	s29 =	spop (v2sf)  }
0x1b6: {  	s0 =	sand.u32 $0x1FFFFFF0, s29  }
0x1b7: {  	s30 =	sadd.s32 $0x4980, s16;
	s0 =	sadd.s32 s3, s0  }
0x1b8: {  	[tilespmem:s30], [sflag:$0x2] =	stream.linear.gather [hbm4b:s0+s2], $0x80, $0x38;
	[tilespmem:$0x8200] =	vst v63  }
0x1b9: {  	_ =	swait.ge [sflag:s11], $0x4000  }
0x1ba: {  	[sflag:s11] =	ssyncset.done $0x0  }
0x1bb: {  	[sflag:s11] =	ssyncadd.s32 $0xFFFFC000  }
0x1bc: {  	[hbm4b:s7+s2] =	stream.linear.scatter [tilespmem:s31], [sflag:$0x3], $0x4000, $0x38;
	[tilespmem:$0x8200] =	vst v63  }
0x1bd: {  	_ =	swait.ge [sflag:s10], $0x4000  }
0x1be: {  	[sflag:s10] =	ssyncset.done $0x0  }
0x1bf: {  	[sflag:s10] =	ssyncadd.s32 $0xFFFFC000  }
0x1c0: {  	s15 =	sadd.s32 $0x1, s15;
	_ =	swait.ge [sflag:s13], $0x4000  }
0x1c1: {  	p0 =	sne.s32 s15, s9;
	[sflag:s13] =	ssyncset.done $0x0  }
.Ltmp4:
0x1c2: {  	s31 =	simm.s32 $0x4200;
	[sflag:s13] =	ssyncadd.s32 $0xFFFFC000;
	(pc) =	sbr.rel @p0 .LBB2_1-.Ltmp4, $4  }
0x1c3: {  	[hbm4b:s8+s2] =	stream.linear.scatter [tilespmem:s31], [sflag:$0x3], $0x4000, $0x38;
	[tilespmem:$0x8200] =	vst v63  }
0x1c4: {  	_ =	swait.ge [sflag:s10], $0x4000  }
0x1c5: {  	[sflag:s10] =	ssyncset.done $0x0  }
0x1c6: {  	[sflag:s10] =	ssyncadd.s32 $0xFFFFC000  }
0x1c7: {  	_ =	sfence.sel $0x180000  }
0x1c8: {  	[bflag:$0x0] =	sbarrier.arrive $0xFFFF  }
0x1c9: {  	_ =	strace $0x9000004A  }
0x1ca: {  	s0 =	stileid.u32;
	[bflag:$0x2] =	sbarrier.arrive $0xFFFF  }
0x1cb: {  	p0 =	sne.s32 s0, $0x0;
	s0 =	rddreg [dreg:$0x2]  }
0x1cc: {  	s0 =	sadd.s32 @!p0 $0x100000, s0  }
0x1cd: {  	[sflag:s0] =	ssyncadd.tile.s32 @!p0 $0x1;
	_ =	shalt  }
.Lfunc_end2:
_tile_overlayer_lowered:
.L_overlay_start_2:
0x1ce: {  	(tag) =	ssettag $0x2  }
0x1cf: {  	s0 =	rddreg [dreg:$0x0];
	s2 =	stileid.u32  }
0x1d0: {  	s1 =	rddreg [dreg:$0x1];
	p0 =	sne.s32 s2, $0x0  }
0x1d1: {  	s3 =	rddreg [dreg:$0x2];
	[bflag:$0x3] =	sbarrier.arrive $0xFFFF;
	s2 =	simm.s32 @!p0 $0x1C03  }
0x1d2: {  	[timem:s3], [sflag:s2] =	dma.local @!p0 [hbm:s0], s1  }
0x1d3: {  	s0 =	simm.s32 @!p0 $0x3  }
0x1d4: {  	_ =	swait.ge @!p0 [sflag:s0], s1  }
0x1d5: {  	s1 =	ssub.s32 @!p0 $0x0, s1;
	[sflag:s0] =	ssyncset.done @!p0 $0x0  }
0x1d6: {  	[sflag:s0] =	ssyncadd.s32 @!p0 s1  }
0x1d7: {  	[bflag:$0x3] =	sbarrier.arrive $0xFFFF  }
0x1d8: {  	_ =	shalt  }

</sc_bundles>
